<compile_context>
chip_gen: v7x
topology: tpu7x:2x2x1
jax: 0.10.2.dev20260603
libtpu: 0.0.44.dev20260713+nightly
codegen_flags: <defaults>
</compile_context>

<pallas_src>
import jax
import jax.numpy as jnp
from jax import lax
from jax.experimental import pallas as pl
from jax.experimental.pallas import tpu as pltpu
from jax.experimental.pallas import tpu_sc as plsc

N = 10000
E = 320000
D = 128

NC = 2
NS = 16
NW = NC * NS
CE = 128
NCHUNK = E // CE
MAXIT = -(-NCHUNK // NW)
NBUF = 2
PAIRS = -(-MAXIT // NBUF)
RPT = 640
RPT_LAST = N - (NS - 1) * RPT
ZRPT = N // NS


def _sc_scatter(h_edge, edge_index, z640, z1d, history_deg, history_neigh):
  mesh = plsc.VectorSubcoreMesh(core_axis_name="c", subcore_axis_name="s")

  def body(h_edge_hbm, ei_hbm, z640_hbm, z1d_hbm, hd_hbm, hn_hbm,
           feat_out, cnt_out,
           stage, idxbuf, cnt_local, acc_feat,
           fsem0, fsem1, isem0, isem1, ssem):
    c = lax.axis_index("c")
    s = lax.axis_index("s")
    wid = c * NS + s
    my_rows = jnp.where(s == NS - 1, RPT_LAST, RPT)
    sbase = s * RPT
    fsems = (fsem0, fsem1)
    isems = (isem0, isem1)

    @pl.when(c == 0)
    def _():
      pltpu.sync_copy(hn_hbm.at[pl.ds(sbase, my_rows)],
                      acc_feat.at[pl.ds(sbase, my_rows)])

    @pl.when(c != 0)
    def _():
      pltpu.sync_copy(z640_hbm.at[pl.ds(0, my_rows)],
                      acc_feat.at[pl.ds(sbase, my_rows)])

    @pl.when(wid == 0)
    def _():
      pltpu.sync_copy(hd_hbm, cnt_local)

    @pl.when(wid != 0)
    def _():
      pltpu.sync_copy(z1d_hbm, cnt_local)

    ones_vec = jnp.ones((16,), jnp.float32)

    def issue(it, b):
      k = wid + it * NW

      @pl.when(k < NCHUNK)
      def _():
        pltpu.async_copy(h_edge_hbm.at[pl.ds(k * CE, CE)], stage.at[b],
                         fsems[b])
        pltpu.async_copy(ei_hbm.at[1, pl.ds(k * CE, CE)], idxbuf.at[b],
                         isems[b])

    for b in range(NBUF):
      issue(b, b)

    plsc.subcore_barrier()

    def wait_scatter(it, b):
      k = wid + it * NW

      @pl.when(k < NCHUNK)
      def _():
        pltpu.make_async_copy(h_edge_hbm.at[pl.ds(0, CE)], stage.at[b],
                              fsems[b]).wait()
        pltpu.make_async_copy(ei_hbm.at[1, pl.ds(0, CE)], idxbuf.at[b],
                              isems[b]).wait()
        cd = pltpu.async_copy(stage.at[b], acc_feat.at[idxbuf.at[b]], ssem,
                              add=True)
        for v in range(CE // 16):
          idx16 = idxbuf[b, pl.ds(v * 16, 16)]
          plsc.addupdate_scatter(cnt_local, [idx16], ones_vec)
        cd.wait()

    def pair_body(i, carry):
      for b in range(NBUF):
        it = i * NBUF + b
        wait_scatter(it, b)
        issue(it + NBUF, b)
      return carry

    lax.fori_loop(0, PAIRS, pair_body, 0)
    plsc.subcore_barrier()

    cd1 = pltpu.async_copy(acc_feat.at[pl.ds(sbase, my_rows)],
                           feat_out.at[c, pl.ds(sbase, my_rows)], fsem0)
    cd2 = pltpu.async_copy(cnt_local, cnt_out.at[pl.ds(wid * N, N)], isem0)
    cd1.wait()
    cd2.wait()

  f = pl.kernel(
      body,
      out_type=(jax.ShapeDtypeStruct((NC, N, D), jnp.float32),
                jax.ShapeDtypeStruct((NW * N,), jnp.float32)),
      mesh=mesh,
      scratch_types=(
          pltpu.VMEM((NBUF, CE, D), jnp.float32),
          pltpu.VMEM((NBUF, CE), jnp.int32),
          pltpu.VMEM((N,), jnp.float32),
          pltpu.VMEM_SHARED((N, D), jnp.float32),
          pltpu.SemaphoreType.DMA,
          pltpu.SemaphoreType.DMA,
          pltpu.SemaphoreType.DMA,
          pltpu.SemaphoreType.DMA,
          pltpu.SemaphoreType.DMA,
      ),
      compiler_params=pltpu.CompilerParams(needs_layout_passes=False),
  )
  return f(h_edge, edge_index, z640, z1d, history_deg, history_neigh)


_R = 2000


def _tc_combine_body(hs, fr, cr, ws, wn, b, rst_o, hist_o):
  hist = fr[0] + fr[1]
  deg = jnp.sum(cr[...], axis=1, keepdims=True) + 1.0
  h_neigh = hist * (1.0 / deg)
  rst = jnp.dot(hs[...], ws[...], preferred_element_type=jnp.float32)
  rst = rst + jnp.dot(h_neigh, wn[...], preferred_element_type=jnp.float32)
  rst_o[...] = rst + b[...]
  hist_o[...] = hist


def _tc_combine(h_self, feat, cntT, Wst, Wnt, bias):
  return pl.pallas_call(
      _tc_combine_body,
      grid=(N // _R,),
      in_specs=[
          pl.BlockSpec((_R, D), lambda i: (i, 0)),
          pl.BlockSpec((NC, _R, D), lambda i: (0, i, 0)),
          pl.BlockSpec((_R, NW), lambda i: (i, 0)),
          pl.BlockSpec((D, D), lambda i: (0, 0)),
          pl.BlockSpec((D, D), lambda i: (0, 0)),
          pl.BlockSpec((1, D), lambda i: (0, 0)),
      ],
      out_specs=[
          pl.BlockSpec((_R, D), lambda i: (i, 0)),
          pl.BlockSpec((_R, D), lambda i: (i, 0)),
      ],
      out_shape=[
          jax.ShapeDtypeStruct((N, D), jnp.float32),
          jax.ShapeDtypeStruct((N, D), jnp.float32),
      ],
  )(h_self, feat, cntT, Wst, Wnt, bias)


def kernel(h_self, h_edge, history_neigh, history_deg, edge_index,
           W_self, b_self, W_neigh, b_neigh):
  ei = edge_index.astype(jnp.int32)
  z640 = jnp.zeros((RPT, D), jnp.float32)
  z1d = jnp.zeros((N,), jnp.float32)
  feat, cnt = _sc_scatter(h_edge, ei, z640, z1d, history_deg, history_neigh)
  cntT = cnt.reshape(NW, N).T
  bias = (b_self + b_neigh)[None, :]
  rst, hist = _tc_combine(h_self, feat, cntT, W_self.T, W_neigh.T, bias)
  return (rst, hist)

# --- scband reference (transcript-rebuilt; emitter-appended) ---
"""Pipeline reference for scband-online-gconv-35227321762440 (READ-ONLY COPY).

The authoritative reference and input builder live on the scoring server;
editing this copy changes nothing except your own understanding.
"""

import jax, jax.numpy as jnp
import numpy as np

N = 10000
E = 320000
D = 128
OUT = 128

def setup_inputs(seed: int = 0) -> dict:
    key = jax.random.key(seed)
    k1, k2, k3, k4, k5, k6 = jax.random.split(key, 6)
    h_self = jax.random.normal(k1, (N, D), dtype=jnp.float32)
    h_edge = jax.random.normal(k2, (E, D), dtype=jnp.float32)
    history_neigh = jax.random.normal(k3, (N, D), dtype=jnp.float32)
    history_deg = jnp.zeros((N,), dtype=jnp.float32)
    edge_index = jax.random.randint(k4, (2, E), 0, N, dtype=jnp.int64 if jax.config.jax_enable_x64 else jnp.int32)
    # learned params: fc_self and fc_neigh (Linear: y = x @ W.T + b)
    W_self = jax.random.normal(k5, (OUT, D), dtype=jnp.float32) * 0.05
    b_self = jnp.zeros((OUT,), dtype=jnp.float32)
    W_neigh = jax.random.normal(k6, (OUT, D), dtype=jnp.float32) * 0.05
    b_neigh = jnp.zeros((OUT,), dtype=jnp.float32)
    return {"h_self": h_self, "h_edge": h_edge, "history_neigh": history_neigh,
            "history_deg": history_deg, "edge_index": edge_index,
            "W_self": W_self, "b_self": b_self, "W_neigh": W_neigh, "b_neigh": b_neigh}

def reference(h_self, h_edge, history_neigh, history_deg, edge_index, W_self, b_self, W_neigh, b_neigh):
    # OnlineGConv.forward with agg_type='mean', cur_layer=0 (edge conv path)
    dst = edge_index[1]
    # deg = history_deg + g.in_degrees() + 1.0
    in_deg = jax.ops.segment_sum(jnp.ones((E,), dtype=jnp.float32), dst, num_segments=N)
    deg = history_deg + in_deg + 1.0
    # _edge_conv: update_all(copy_e, sum) -> scatter-add edge features to dst nodes
    new_neigh = jax.ops.segment_sum(h_edge, dst, num_segments=N)
    # hist_neigh = hist_neigh + new_neigh  (mean agg)
    hist_neigh = history_neigh + new_neigh
    # mean: h_neigh = hist_neigh / deg; rst = fc_self(h_self) + fc_neigh(h_neigh)
    h_neigh = hist_neigh / deg[:, None]
    rst = h_self @ W_self.T + b_self + h_neigh @ W_neigh.T + b_neigh
    return (rst, hist_neigh)

if __name__ == "__main__":
    import jax
    _d = setup_inputs()
    print(jax.jit(kernel)(*tuple(_d.values())))

</pallas_src>

<mosaic_0001>
#map = affine_map<(d0, d1) -> (0, 0)>
#map1 = affine_map<(d0, d1) -> (0)>
#map2 = affine_map<(d0, d1) -> (0, 0, 0)>
module attributes {stable_mosaic.version = 14 : i64} {
  func.func @body(%arg0: i32, %arg1: i32, %arg2: memref<320000x128xf32, #tpu.memory_space<hbm>>, %arg3: memref<2x320000xi32, #tpu.memory_space<hbm>>, %arg4: memref<640x128xf32, #tpu.memory_space<hbm>>, %arg5: memref<10000xf32, #tpu.memory_space<hbm>>, %arg6: memref<10000xf32, #tpu.memory_space<hbm>>, %arg7: memref<10000x128xf32, #tpu.memory_space<hbm>>, %arg8: memref<2x10000x128xf32, #tpu.memory_space<hbm>>, %arg9: memref<320000xf32, #tpu.memory_space<hbm>>, %arg10: memref<2x128x128xf32, #tpu.memory_space<vmem>>, %arg11: memref<2x128xi32, #tpu.memory_space<vmem>>, %arg12: memref<10000xf32, #tpu.memory_space<vmem>>, %arg13: memref<10000x128xf32, #tpu.memory_space<vmem_shared>>, %arg14: memref<!tpu.dma_semaphore, #tpu.memory_space<semaphore_mem>>, %arg15: memref<!tpu.dma_semaphore, #tpu.memory_space<semaphore_mem>>, %arg16: memref<!tpu.dma_semaphore, #tpu.memory_space<semaphore_mem>>, %arg17: memref<!tpu.dma_semaphore, #tpu.memory_space<semaphore_mem>>, %arg18: memref<!tpu.dma_semaphore, #tpu.memory_space<semaphore_mem>>) attributes {dimension_semantics = [#tpu.dimension_semantics<core_parallel>, #tpu.dimension_semantics<subcore_parallel>], iteration_bounds = array<i64: 2, 16>, scalar_prefetch = 0 : i64, scratch_operands = 9 : i64, tpu.core_type = #tpu.core_type<sc_vector_subcore>, window_params = [{transform_indices = #map}, {transform_indices = #map}, {transform_indices = #map}, {transform_indices = #map1}, {transform_indices = #map1}, {transform_indices = #map}, {transform_indices = #map2}, {transform_indices = #map1}]} {
    %mul3A = arith.constant 16 : i32
    %mul3A_0 = arith.muli %arg0, %mul3A : i32
    %add3A = arith.addi %mul3A_0, %arg1 : i32
    %eq3A = arith.constant 15 : i32
    %eq3A_1 = arith.cmpi eq, %arg1, %eq3A : i32
    %jit3A = arith.constant 400 : i32
    %jit3A_2 = arith.constant 640 : i32
    %select_n3A = arith.select %eq3A_1, %jit3A, %jit3A_2 : i32
    %mul3A_3 = arith.constant 640 : i32
    %mul3A_4 = arith.muli %arg1, %mul3A_3 : i32
    %eq3A_5 = arith.constant 0 : i32
    %eq3A_6 = arith.cmpi eq, %arg0, %eq3A_5 : i32
    %convert_element_type3A = arith.extui %eq3A_6 : i1 to i32
    %cond3A = arith.constant 0 : i32
    %cond3A_7 = arith.cmpi ne, %convert_element_type3A, %cond3A : i32
    scf.if %cond3A_7 {
      "tpu.region"() ({
        %run_scoped3A = tpu.sem_alloc : memref<!tpu.dma_semaphore, #tpu.memory_space<semaphore_mem>>
        %dma_start3A_56 = arith.constant 0 : i32
        %dma_start3A_57 = tpu.memref_slice %arg13[%mul3A_4, %dma_start3A_56] <%select_n3A> : memref<10000x128xf32, #tpu.memory_space<vmem_shared>> -> memref<?x128xf32, #tpu.memory_space<vmem_shared>>
        %dma_start3A_58 = arith.constant 0 : i32
        %dma_start3A_59 = tpu.memref_slice %arg7[%mul3A_4, %dma_start3A_58] <%select_n3A> : memref<10000x128xf32, #tpu.memory_space<hbm>> -> memref<?x128xf32, #tpu.memory_space<hbm>>
        tpu.enqueue_dma source(%dma_start3A_59 : memref<?x128xf32, #tpu.memory_space<hbm>>) target(%dma_start3A_57 : memref<?x128xf32, #tpu.memory_space<vmem_shared>>) target_semaphore(%run_scoped3A : memref<!tpu.dma_semaphore, #tpu.memory_space<semaphore_mem>>)
        %dma_wait3A_60 = arith.constant 0 : i32
        %dma_wait3A_61 = tpu.memref_slice %arg13[%mul3A_4, %dma_wait3A_60] <%select_n3A> : memref<10000x128xf32, #tpu.memory_space<vmem_shared>> -> memref<?x128xf32, #tpu.memory_space<vmem_shared>>
        %dma_wait3A_62 = arith.constant 0 : i32
        %dma_wait3A_63 = tpu.memref_slice %arg7[%mul3A_4, %dma_wait3A_62] <%select_n3A> : memref<10000x128xf32, #tpu.memory_space<hbm>> -> memref<?x128xf32, #tpu.memory_space<hbm>>
        tpu.wait_dma2 semaphore(%run_scoped3A : memref<!tpu.dma_semaphore, #tpu.memory_space<semaphore_mem>>) src(%dma_wait3A_63 : memref<?x128xf32, #tpu.memory_space<hbm>>) dst(%dma_wait3A_61 : memref<?x128xf32, #tpu.memory_space<vmem_shared>>)
        tpu.yield
      }) : () -> ()
    } else {
    }
    %ne3A = arith.constant 0 : i32
    %ne3A_8 = arith.cmpi ne, %arg0, %ne3A : i32
    %convert_element_type3A_9 = arith.extui %ne3A_8 : i1 to i32
    %cond3A_10 = arith.constant 0 : i32
    %cond3A_11 = arith.cmpi ne, %convert_element_type3A_9, %cond3A_10 : i32
    scf.if %cond3A_11 {
      "tpu.region"() ({
        %run_scoped3A = tpu.sem_alloc : memref<!tpu.dma_semaphore, #tpu.memory_space<semaphore_mem>>
        %dma_start3A_56 = arith.constant 0 : i32
        %dma_start3A_57 = tpu.memref_slice %arg13[%mul3A_4, %dma_start3A_56] <%select_n3A> : memref<10000x128xf32, #tpu.memory_space<vmem_shared>> -> memref<?x128xf32, #tpu.memory_space<vmem_shared>>
        %dma_start3A_58 = arith.constant 0 : i32
        %dma_start3A_59 = arith.constant 0 : i32
        %dma_start3A_60 = tpu.memref_slice %arg4[%dma_start3A_58, %dma_start3A_59] <%select_n3A> : memref<640x128xf32, #tpu.memory_space<hbm>> -> memref<?x128xf32, #tpu.memory_space<hbm>>
        tpu.enqueue_dma source(%dma_start3A_60 : memref<?x128xf32, #tpu.memory_space<hbm>>) target(%dma_start3A_57 : memref<?x128xf32, #tpu.memory_space<vmem_shared>>) target_semaphore(%run_scoped3A : memref<!tpu.dma_semaphore, #tpu.memory_space<semaphore_mem>>)
        %dma_wait3A_61 = arith.constant 0 : i32
        %dma_wait3A_62 = tpu.memref_slice %arg13[%mul3A_4, %dma_wait3A_61] <%select_n3A> : memref<10000x128xf32, #tpu.memory_space<vmem_shared>> -> memref<?x128xf32, #tpu.memory_space<vmem_shared>>
        %dma_wait3A_63 = arith.constant 0 : i32
        %dma_wait3A_64 = arith.constant 0 : i32
        %dma_wait3A_65 = tpu.memref_slice %arg4[%dma_wait3A_63, %dma_wait3A_64] <%select_n3A> : memref<640x128xf32, #tpu.memory_space<hbm>> -> memref<?x128xf32, #tpu.memory_space<hbm>>
        tpu.wait_dma2 semaphore(%run_scoped3A : memref<!tpu.dma_semaphore, #tpu.memory_space<semaphore_mem>>) src(%dma_wait3A_65 : memref<?x128xf32, #tpu.memory_space<hbm>>) dst(%dma_wait3A_62 : memref<?x128xf32, #tpu.memory_space<vmem_shared>>)
        tpu.yield
      }) : () -> ()
    } else {
    }
    %eq3A_12 = arith.constant 0 : i32
    %eq3A_13 = arith.cmpi eq, %add3A, %eq3A_12 : i32
    %convert_element_type3A_14 = arith.extui %eq3A_13 : i1 to i32
    %cond3A_15 = arith.constant 0 : i32
    %cond3A_16 = arith.cmpi ne, %convert_element_type3A_14, %cond3A_15 : i32
    scf.if %cond3A_16 {
      "tpu.region"() ({
        %run_scoped3A = tpu.sem_alloc : memref<!tpu.dma_semaphore, #tpu.memory_space<semaphore_mem>>
        tpu.enqueue_dma source(%arg6 : memref<10000xf32, #tpu.memory_space<hbm>>) target(%arg12 : memref<10000xf32, #tpu.memory_space<vmem>>) target_semaphore(%run_scoped3A : memref<!tpu.dma_semaphore, #tpu.memory_space<semaphore_mem>>)
        tpu.wait_dma2 semaphore(%run_scoped3A : memref<!tpu.dma_semaphore, #tpu.memory_space<semaphore_mem>>) src(%arg6 : memref<10000xf32, #tpu.memory_space<hbm>>) dst(%arg12 : memref<10000xf32, #tpu.memory_space<vmem>>)
        tpu.yield
      }) : () -> ()
    } else {
    }
    %ne3A_17 = arith.constant 0 : i32
    %ne3A_18 = arith.cmpi ne, %add3A, %ne3A_17 : i32
    %convert_element_type3A_19 = arith.extui %ne3A_18 : i1 to i32
    %cond3A_20 = arith.constant 0 : i32
    %cond3A_21 = arith.cmpi ne, %convert_element_type3A_19, %cond3A_20 : i32
    scf.if %cond3A_21 {
      "tpu.region"() ({
        %run_scoped3A = tpu.sem_alloc : memref<!tpu.dma_semaphore, #tpu.memory_space<semaphore_mem>>
        tpu.enqueue_dma source(%arg5 : memref<10000xf32, #tpu.memory_space<hbm>>) target(%arg12 : memref<10000xf32, #tpu.memory_space<vmem>>) target_semaphore(%run_scoped3A : memref<!tpu.dma_semaphore, #tpu.memory_space<semaphore_mem>>)
        tpu.wait_dma2 semaphore(%run_scoped3A : memref<!tpu.dma_semaphore, #tpu.memory_space<semaphore_mem>>) src(%arg5 : memref<10000xf32, #tpu.memory_space<hbm>>) dst(%arg12 : memref<10000xf32, #tpu.memory_space<vmem>>)
        tpu.yield
      }) : () -> ()
    } else {
    }
    %broadcast_in_dim3A = arith.constant 1.000000e+00 : f32
    %broadcast_in_dim3A_22 = vector.broadcast %broadcast_in_dim3A : f32 to vector<16xf32>
    %add3A_23 = arith.constant 0 : i32
    %add3A_24 = arith.addi %add3A, %add3A_23 : i32
    %lt3A = arith.constant 2500 : i32
    %lt3A_25 = arith.cmpi slt, %add3A_24, %lt3A : i32
    %convert_element_type3A_26 = arith.extui %lt3A_25 : i1 to i32
    %cond3A_27 = arith.constant 0 : i32
    %cond3A_28 = arith.cmpi ne, %convert_element_type3A_26, %cond3A_27 : i32
    scf.if %cond3A_28 {
      %mul3A_56 = arith.constant 128 : i32
      %mul3A_57 = arith.muli %add3A_24, %mul3A_56 : i32
      %dma_start3A_58 = arith.constant 0 : i32
      %dma_start3A_59 = arith.constant 0 : i32
      %dma_start3A_60 = arith.constant 0 : i32
      %dma_start3A_61 = tpu.memref_slice %arg10[%dma_start3A_58, %dma_start3A_59, %dma_start3A_60] : memref<2x128x128xf32, #tpu.memory_space<vmem>> -> memref<1x128x128xf32, #tpu.memory_space<vmem>>
      %dma_start3A_62 = tpu.memref_squeeze %dma_start3A_61 : memref<1x128x128xf32, #tpu.memory_space<vmem>> -> memref<128x128xf32, #tpu.memory_space<vmem>>
      %dma_start3A_63 = arith.constant 0 : i32
      %dma_start3A_64 = tpu.memref_slice %arg2[%mul3A_57, %dma_start3A_63] : memref<320000x128xf32, #tpu.memory_space<hbm>> -> memref<128x128xf32, #tpu.memory_space<hbm>>
      %dma_start3A_65 = arith.constant 0 : i32
      %dma_start3A_66 = arith.constant 0 : i32
      %dma_start3A_67 = tpu.memref_slice %arg10[%dma_start3A_58, %dma_start3A_65, %dma_start3A_66] : memref<2x128x128xf32, #tpu.memory_space<vmem>> -> memref<1x128x128xf32, #tpu.memory_space<vmem>>
      %dma_start3A_68 = tpu.memref_squeeze %dma_start3A_67 : memref<1x128x128xf32, #tpu.memory_space<vmem>> -> memref<128x128xf32, #tpu.memory_space<vmem>>
      %dma_start3A_69 = arith.constant 0 : i32
      %dma_start3A_70 = tpu.memref_slice %arg2[%mul3A_57, %dma_start3A_69] : memref<320000x128xf32, #tpu.memory_space<hbm>> -> memref<128x128xf32, #tpu.memory_space<hbm>>
      tpu.enqueue_dma source(%dma_start3A_70 : memref<128x128xf32, #tpu.memory_space<hbm>>) target(%dma_start3A_68 : memref<128x128xf32, #tpu.memory_space<vmem>>) target_semaphore(%arg14 : memref<!tpu.dma_semaphore, #tpu.memory_space<semaphore_mem>>)
      %mul3A_71 = arith.constant 128 : i32
      %mul3A_72 = arith.muli %add3A_24, %mul3A_71 : i32
      %dma_start3A_73 = arith.constant 1 : i32
      %dma_start3A_74 = arith.constant 0 : i32
      %dma_start3A_75 = arith.constant 0 : i32
      %dma_start3A_76 = tpu.memref_slice %arg11[%dma_start3A_74, %dma_start3A_75] : memref<2x128xi32, #tpu.memory_space<vmem>> -> memref<1x128xi32, #tpu.memory_space<vmem>>
      %dma_start3A_77 = tpu.memref_squeeze %dma_start3A_76 : memref<1x128xi32, #tpu.memory_space<vmem>> -> memref<128xi32, #tpu.memory_space<vmem>>
      %dma_start3A_78 = tpu.memref_slice %arg3[%dma_start3A_73, %mul3A_72] : memref<2x320000xi32, #tpu.memory_space<hbm>> -> memref<1x128xi32, #tpu.memory_space<hbm>>
      %dma_start3A_79 = tpu.memref_squeeze %dma_start3A_78 : memref<1x128xi32, #tpu.memory_space<hbm>> -> memref<128xi32, #tpu.memory_space<hbm>>
      %dma_start3A_80 = arith.constant 0 : i32
      %dma_start3A_81 = tpu.memref_slice %arg11[%dma_start3A_74, %dma_start3A_80] : memref<2x128xi32, #tpu.memory_space<vmem>> -> memref<1x128xi32, #tpu.memory_space<vmem>>
      %dma_start3A_82 = tpu.memref_squeeze %dma_start3A_81 : memref<1x128xi32, #tpu.memory_space<vmem>> -> memref<128xi32, #tpu.memory_space<vmem>>
      %dma_start3A_83 = tpu.memref_slice %arg3[%dma_start3A_73, %mul3A_72] : memref<2x320000xi32, #tpu.memory_space<hbm>> -> memref<1x128xi32, #tpu.memory_space<hbm>>
      %dma_start3A_84 = tpu.memref_squeeze %dma_start3A_83 : memref<1x128xi32, #tpu.memory_space<hbm>> -> memref<128xi32, #tpu.memory_space<hbm>>
      tpu.enqueue_dma source(%dma_start3A_84 : memref<128xi32, #tpu.memory_space<hbm>>) target(%dma_start3A_82 : memref<128xi32, #tpu.memory_space<vmem>>) target_semaphore(%arg16 : memref<!tpu.dma_semaphore, #tpu.memory_space<semaphore_mem>>)
    } else {
    }
    %add3A_29 = arith.constant 32 : i32
    %add3A_30 = arith.addi %add3A, %add3A_29 : i32
    %lt3A_31 = arith.constant 2500 : i32
    %lt3A_32 = arith.cmpi slt, %add3A_30, %lt3A_31 : i32
    %convert_element_type3A_33 = arith.extui %lt3A_32 : i1 to i32
    %cond3A_34 = arith.constant 0 : i32
    %cond3A_35 = arith.cmpi ne, %convert_element_type3A_33, %cond3A_34 : i32
    scf.if %cond3A_35 {
      %mul3A_56 = arith.constant 128 : i32
      %mul3A_57 = arith.muli %add3A_30, %mul3A_56 : i32
      %dma_start3A_58 = arith.constant 1 : i32
      %dma_start3A_59 = arith.constant 0 : i32
      %dma_start3A_60 = arith.constant 0 : i32
      %dma_start3A_61 = tpu.memref_slice %arg10[%dma_start3A_58, %dma_start3A_59, %dma_start3A_60] : memref<2x128x128xf32, #tpu.memory_space<vmem>> -> memref<1x128x128xf32, #tpu.memory_space<vmem>>
      %dma_start3A_62 = tpu.memref_squeeze %dma_start3A_61 : memref<1x128x128xf32, #tpu.memory_space<vmem>> -> memref<128x128xf32, #tpu.memory_space<vmem>>
      %dma_start3A_63 = arith.constant 0 : i32
      %dma_start3A_64 = tpu.memref_slice %arg2[%mul3A_57, %dma_start3A_63] : memref<320000x128xf32, #tpu.memory_space<hbm>> -> memref<128x128xf32, #tpu.memory_space<hbm>>
      %dma_start3A_65 = arith.constant 0 : i32
      %dma_start3A_66 = arith.constant 0 : i32
      %dma_start3A_67 = tpu.memref_slice %arg10[%dma_start3A_58, %dma_start3A_65, %dma_start3A_66] : memref<2x128x128xf32, #tpu.memory_space<vmem>> -> memref<1x128x128xf32, #tpu.memory_space<vmem>>
      %dma_start3A_68 = tpu.memref_squeeze %dma_start3A_67 : memref<1x128x128xf32, #tpu.memory_space<vmem>> -> memref<128x128xf32, #tpu.memory_space<vmem>>
      %dma_start3A_69 = arith.constant 0 : i32
      %dma_start3A_70 = tpu.memref_slice %arg2[%mul3A_57, %dma_start3A_69] : memref<320000x128xf32, #tpu.memory_space<hbm>> -> memref<128x128xf32, #tpu.memory_space<hbm>>
      tpu.enqueue_dma source(%dma_start3A_70 : memref<128x128xf32, #tpu.memory_space<hbm>>) target(%dma_start3A_68 : memref<128x128xf32, #tpu.memory_space<vmem>>) target_semaphore(%arg15 : memref<!tpu.dma_semaphore, #tpu.memory_space<semaphore_mem>>)
      %mul3A_71 = arith.constant 128 : i32
      %mul3A_72 = arith.muli %add3A_30, %mul3A_71 : i32
      %dma_start3A_73 = arith.constant 1 : i32
      %dma_start3A_74 = arith.constant 1 : i32
      %dma_start3A_75 = arith.constant 0 : i32
      %dma_start3A_76 = tpu.memref_slice %arg11[%dma_start3A_74, %dma_start3A_75] : memref<2x128xi32, #tpu.memory_space<vmem>> -> memref<1x128xi32, #tpu.memory_space<vmem>>
      %dma_start3A_77 = tpu.memref_squeeze %dma_start3A_76 : memref<1x128xi32, #tpu.memory_space<vmem>> -> memref<128xi32, #tpu.memory_space<vmem>>
      %dma_start3A_78 = tpu.memref_slice %arg3[%dma_start3A_73, %mul3A_72] : memref<2x320000xi32, #tpu.memory_space<hbm>> -> memref<1x128xi32, #tpu.memory_space<hbm>>
      %dma_start3A_79 = tpu.memref_squeeze %dma_start3A_78 : memref<1x128xi32, #tpu.memory_space<hbm>> -> memref<128xi32, #tpu.memory_space<hbm>>
      %dma_start3A_80 = arith.constant 0 : i32
      %dma_start3A_81 = tpu.memref_slice %arg11[%dma_start3A_74, %dma_start3A_80] : memref<2x128xi32, #tpu.memory_space<vmem>> -> memref<1x128xi32, #tpu.memory_space<vmem>>
      %dma_start3A_82 = tpu.memref_squeeze %dma_start3A_81 : memref<1x128xi32, #tpu.memory_space<vmem>> -> memref<128xi32, #tpu.memory_space<vmem>>
      %dma_start3A_83 = tpu.memref_slice %arg3[%dma_start3A_73, %mul3A_72] : memref<2x320000xi32, #tpu.memory_space<hbm>> -> memref<1x128xi32, #tpu.memory_space<hbm>>
      %dma_start3A_84 = tpu.memref_squeeze %dma_start3A_83 : memref<1x128xi32, #tpu.memory_space<hbm>> -> memref<128xi32, #tpu.memory_space<hbm>>
      tpu.enqueue_dma source(%dma_start3A_84 : memref<128xi32, #tpu.memory_space<hbm>>) target(%dma_start3A_82 : memref<128xi32, #tpu.memory_space<vmem>>) target_semaphore(%arg17 : memref<!tpu.dma_semaphore, #tpu.memory_space<semaphore_mem>>)
    } else {
    }
    %barrier3A = arith.constant 0 : index
    tpu.barrier barrier_id(%barrier3A)
    %scan3A = arith.constant 0 : i32
    %scan3A_36 = arith.constant 0 : i32
    %scan3A_37 = arith.constant 40 : i32
    %scan3A_38 = arith.addi %scan3A_36, %scan3A_37 : i32
    %scan3A_39 = arith.constant 1 : i32
    scf.for %scan3A_56 = %scan3A_36 to %scan3A_38 step %scan3A_39  : i32 {
      %mul3A_57 = arith.constant 2 : i32
      %mul3A_58 = arith.muli %scan3A_56, %mul3A_57 : i32
      %add3A_59 = arith.constant 0 : i32
      %add3A_60 = arith.addi %mul3A_58, %add3A_59 : i32
      %mul3A_61 = arith.constant 32 : i32
      %mul3A_62 = arith.muli %add3A_60, %mul3A_61 : i32
      %add3A_63 = arith.addi %add3A, %mul3A_62 : i32
      %lt3A_64 = arith.constant 2500 : i32
      %lt3A_65 = arith.cmpi slt, %add3A_63, %lt3A_64 : i32
      %convert_element_type3A_66 = arith.extui %lt3A_65 : i1 to i32
      %cond3A_67 = arith.constant 0 : i32
      %cond3A_68 = arith.cmpi ne, %convert_element_type3A_66, %cond3A_67 : i32
      scf.if %cond3A_68 {
        %dma_wait3A_101 = arith.constant 0 : i32
        %dma_wait3A_102 = arith.constant 0 : i32
        %dma_wait3A_103 = arith.constant 0 : i32
        %dma_wait3A_104 = tpu.memref_slice %arg10[%dma_wait3A_101, %dma_wait3A_102, %dma_wait3A_103] : memref<2x128x128xf32, #tpu.memory_space<vmem>> -> memref<1x128x128xf32, #tpu.memory_space<vmem>>
        %dma_wait3A_105 = tpu.memref_squeeze %dma_wait3A_104 : memref<1x128x128xf32, #tpu.memory_space<vmem>> -> memref<128x128xf32, #tpu.memory_space<vmem>>
        %dma_wait3A_106 = arith.constant 0 : i32
        %dma_wait3A_107 = arith.constant 0 : i32
        %dma_wait3A_108 = tpu.memref_slice %arg2[%dma_wait3A_106, %dma_wait3A_107] : memref<320000x128xf32, #tpu.memory_space<hbm>> -> memref<128x128xf32, #tpu.memory_space<hbm>>
        %dma_wait3A_109 = arith.constant 0 : i32
        %dma_wait3A_110 = arith.constant 0 : i32
        %dma_wait3A_111 = tpu.memref_slice %arg10[%dma_wait3A_101, %dma_wait3A_109, %dma_wait3A_110] : memref<2x128x128xf32, #tpu.memory_space<vmem>> -> memref<1x128x128xf32, #tpu.memory_space<vmem>>
        %dma_wait3A_112 = tpu.memref_squeeze %dma_wait3A_111 : memref<1x128x128xf32, #tpu.memory_space<vmem>> -> memref<128x128xf32, #tpu.memory_space<vmem>>
        %dma_wait3A_113 = arith.constant 0 : i32
        %dma_wait3A_114 = arith.constant 0 : i32
        %dma_wait3A_115 = tpu.memref_slice %arg2[%dma_wait3A_113, %dma_wait3A_114] : memref<320000x128xf32, #tpu.memory_space<hbm>> -> memref<128x128xf32, #tpu.memory_space<hbm>>
        tpu.wait_dma2 semaphore(%arg14 : memref<!tpu.dma_semaphore, #tpu.memory_space<semaphore_mem>>) src(%dma_wait3A_115 : memref<128x128xf32, #tpu.memory_space<hbm>>) dst(%dma_wait3A_112 : memref<128x128xf32, #tpu.memory_space<vmem>>)
        %dma_wait3A_116 = arith.constant 1 : i32
        %dma_wait3A_117 = arith.constant 0 : i32
        %dma_wait3A_118 = arith.constant 0 : i32
        %dma_wait3A_119 = tpu.memref_slice %arg11[%dma_wait3A_117, %dma_wait3A_118] : memref<2x128xi32, #tpu.memory_space<vmem>> -> memref<1x128xi32, #tpu.memory_space<vmem>>
        %dma_wait3A_120 = tpu.memref_squeeze %dma_wait3A_119 : memref<1x128xi32, #tpu.memory_space<vmem>> -> memref<128xi32, #tpu.memory_space<vmem>>
        %dma_wait3A_121 = arith.constant 0 : i32
        %dma_wait3A_122 = tpu.memref_slice %arg3[%dma_wait3A_116, %dma_wait3A_121] : memref<2x320000xi32, #tpu.memory_space<hbm>> -> memref<1x128xi32, #tpu.memory_space<hbm>>
        %dma_wait3A_123 = tpu.memref_squeeze %dma_wait3A_122 : memref<1x128xi32, #tpu.memory_space<hbm>> -> memref<128xi32, #tpu.memory_space<hbm>>
        %dma_wait3A_124 = arith.constant 0 : i32
        %dma_wait3A_125 = tpu.memref_slice %arg11[%dma_wait3A_117, %dma_wait3A_124] : memref<2x128xi32, #tpu.memory_space<vmem>> -> memref<1x128xi32, #tpu.memory_space<vmem>>
        %dma_wait3A_126 = tpu.memref_squeeze %dma_wait3A_125 : memref<1x128xi32, #tpu.memory_space<vmem>> -> memref<128xi32, #tpu.memory_space<vmem>>
        %dma_wait3A_127 = arith.constant 0 : i32
        %dma_wait3A_128 = tpu.memref_slice %arg3[%dma_wait3A_116, %dma_wait3A_127] : memref<2x320000xi32, #tpu.memory_space<hbm>> -> memref<1x128xi32, #tpu.memory_space<hbm>>
        %dma_wait3A_129 = tpu.memref_squeeze %dma_wait3A_128 : memref<1x128xi32, #tpu.memory_space<hbm>> -> memref<128xi32, #tpu.memory_space<hbm>>
        tpu.wait_dma2 semaphore(%arg16 : memref<!tpu.dma_semaphore, #tpu.memory_space<semaphore_mem>>) src(%dma_wait3A_129 : memref<128xi32, #tpu.memory_space<hbm>>) dst(%dma_wait3A_126 : memref<128xi32, #tpu.memory_space<vmem>>)
        %dma_start3A_130 = arith.constant 0 : i32
        %dma_start3A_131 = arith.constant 0 : i32
        %dma_start3A_132 = arith.constant 0 : i32
        %dma_start3A_133 = arith.constant 0 : i32
        %dma_start3A_134 = tpu.memref_slice %arg10[%dma_start3A_130, %dma_start3A_132, %dma_start3A_133] : memref<2x128x128xf32, #tpu.memory_space<vmem>> -> memref<1x128x128xf32, #tpu.memory_space<vmem>>
        %dma_start3A_135 = tpu.memref_squeeze %dma_start3A_134 : memref<1x128x128xf32, #tpu.memory_space<vmem>> -> memref<128x128xf32, #tpu.memory_space<vmem>>
        %dma_start3A_136 = arith.constant 0 : i32
        %dma_start3A_137 = tpu.memref_slice %arg11[%dma_start3A_131, %dma_start3A_136] : memref<2x128xi32, #tpu.memory_space<vmem>> -> memref<1x128xi32, #tpu.memory_space<vmem>>
        %dma_start3A_138 = tpu.memref_squeeze %dma_start3A_137 : memref<1x128xi32, #tpu.memory_space<vmem>> -> memref<128xi32, #tpu.memory_space<vmem>>
        %dma_start3A_139 = arith.constant 0 : i32
        %dma_start3A_140 = arith.constant 0 : i32
        %dma_start3A_141 = tpu.memref_slice %arg13[%dma_start3A_139, %dma_start3A_140] : memref<10000x128xf32, #tpu.memory_space<vmem_shared>> -> memref<10000x128xf32, #tpu.memory_space<vmem_shared>>
        tpu.enqueue_indirect_dma source(%dma_start3A_135 : memref<128x128xf32, #tpu.memory_space<vmem>>) target(%dma_start3A_141 : memref<10000x128xf32, #tpu.memory_space<vmem_shared>>) offsets(%dma_start3A_138 : memref<128xi32, #tpu.memory_space<vmem>>) semaphore(%arg18 : memref<!tpu.dma_semaphore, #tpu.memory_space<semaphore_mem>>) {add = true}
        %get3A = arith.constant 0 : i32
        %get3A_142 = arith.index_cast %get3A : i32 to index
        %get3A_143 = arith.constant 0 : index
        %get3A_144 = tpu.vector_load %arg11[%get3A_142, %get3A_143] {strides = array<i32>} : memref<2x128xi32, #tpu.memory_space<vmem>>, vector<16xi32>,
        tpu.vector_store_idx %arg12[%get3A_144], %broadcast_in_dim3A_22 {add = true} : memref<10000xf32, #tpu.memory_space<vmem>>[vector<16xi32>], vector<16xf32>,
        %get3A_145 = arith.constant 0 : i32
        %get3A_146 = arith.index_cast %get3A_145 : i32 to index
        %get3A_147 = arith.constant 16 : index
        %get3A_148 = tpu.vector_load %arg11[%get3A_146, %get3A_147] {strides = array<i32>} : memref<2x128xi32, #tpu.memory_space<vmem>>, vector<16xi32>,
        tpu.vector_store_idx %arg12[%get3A_148], %broadcast_in_dim3A_22 {add = true} : memref<10000xf32, #tpu.memory_space<vmem>>[vector<16xi32>], vector<16xf32>,
        %get3A_149 = arith.constant 0 : i32
        %get3A_150 = arith.index_cast %get3A_149 : i32 to index
        %get3A_151 = arith.constant 32 : index
        %get3A_152 = tpu.vector_load %arg11[%get3A_150, %get3A_151] {strides = array<i32>} : memref<2x128xi32, #tpu.memory_space<vmem>>, vector<16xi32>,
        tpu.vector_store_idx %arg12[%get3A_152], %broadcast_in_dim3A_22 {add = true} : memref<10000xf32, #tpu.memory_space<vmem>>[vector<16xi32>], vector<16xf32>,
        %get3A_153 = arith.constant 0 : i32
        %get3A_154 = arith.index_cast %get3A_153 : i32 to index
        %get3A_155 = arith.constant 48 : index
        %get3A_156 = tpu.vector_load %arg11[%get3A_154, %get3A_155] {strides = array<i32>} : memref<2x128xi32, #tpu.memory_space<vmem>>, vector<16xi32>,
        tpu.vector_store_idx %arg12[%get3A_156], %broadcast_in_dim3A_22 {add = true} : memref<10000xf32, #tpu.memory_space<vmem>>[vector<16xi32>], vector<16xf32>,
        %get3A_157 = arith.constant 0 : i32
        %get3A_158 = arith.index_cast %get3A_157 : i32 to index
        %get3A_159 = arith.constant 64 : index
        %get3A_160 = tpu.vector_load %arg11[%get3A_158, %get3A_159] {strides = array<i32>} : memref<2x128xi32, #tpu.memory_space<vmem>>, vector<16xi32>,
        tpu.vector_store_idx %arg12[%get3A_160], %broadcast_in_dim3A_22 {add = true} : memref<10000xf32, #tpu.memory_space<vmem>>[vector<16xi32>], vector<16xf32>,
        %get3A_161 = arith.constant 0 : i32
        %get3A_162 = arith.index_cast %get3A_161 : i32 to index
        %get3A_163 = arith.constant 80 : index
        %get3A_164 = tpu.vector_load %arg11[%get3A_162, %get3A_163] {strides = array<i32>} : memref<2x128xi32, #tpu.memory_space<vmem>>, vector<16xi32>,
        tpu.vector_store_idx %arg12[%get3A_164], %broadcast_in_dim3A_22 {add = true} : memref<10000xf32, #tpu.memory_space<vmem>>[vector<16xi32>], vector<16xf32>,
        %get3A_165 = arith.constant 0 : i32
        %get3A_166 = arith.index_cast %get3A_165 : i32 to index
        %get3A_167 = arith.constant 96 : index
        %get3A_168 = tpu.vector_load %arg11[%get3A_166, %get3A_167] {strides = array<i32>} : memref<2x128xi32, #tpu.memory_space<vmem>>, vector<16xi32>,
        tpu.vector_store_idx %arg12[%get3A_168], %broadcast_in_dim3A_22 {add = true} : memref<10000xf32, #tpu.memory_space<vmem>>[vector<16xi32>], vector<16xf32>,
        %get3A_169 = arith.constant 0 : i32
        %get3A_170 = arith.index_cast %get3A_169 : i32 to index
        %get3A_171 = arith.constant 112 : index
        %get3A_172 = tpu.vector_load %arg11[%get3A_170, %get3A_171] {strides = array<i32>} : memref<2x128xi32, #tpu.memory_space<vmem>>, vector<16xi32>,
        tpu.vector_store_idx %arg12[%get3A_172], %broadcast_in_dim3A_22 {add = true} : memref<10000xf32, #tpu.memory_space<vmem>>[vector<16xi32>], vector<16xf32>,
        %dma_wait3A_173 = arith.constant 0 : i32
        %dma_wait3A_174 = arith.constant 0 : i32
        %dma_wait3A_175 = arith.constant 0 : i32
        %dma_wait3A_176 = arith.constant 0 : i32
        %dma_wait3A_177 = tpu.memref_slice %arg10[%dma_wait3A_173, %dma_wait3A_175, %dma_wait3A_176] : memref<2x128x128xf32, #tpu.memory_space<vmem>> -> memref<1x128x128xf32, #tpu.memory_space<vmem>>
        %dma_wait3A_178 = tpu.memref_squeeze %dma_wait3A_177 : memref<1x128x128xf32, #tpu.memory_space<vmem>> -> memref<128x128xf32, #tpu.memory_space<vmem>>
        %dma_wait3A_179 = arith.constant 0 : i32
        %dma_wait3A_180 = tpu.memref_slice %arg11[%dma_wait3A_174, %dma_wait3A_179] : memref<2x128xi32, #tpu.memory_space<vmem>> -> memref<1x128xi32, #tpu.memory_space<vmem>>
        %dma_wait3A_181 = tpu.memref_squeeze %dma_wait3A_180 : memref<1x128xi32, #tpu.memory_space<vmem>> -> memref<128xi32, #tpu.memory_space<vmem>>
        %dma_wait3A_182 = arith.constant 0 : i32
        %dma_wait3A_183 = arith.constant 0 : i32
        %dma_wait3A_184 = tpu.memref_slice %arg13[%dma_wait3A_182, %dma_wait3A_183] : memref<10000x128xf32, #tpu.memory_space<vmem_shared>> -> memref<10000x128xf32, #tpu.memory_space<vmem_shared>>
        tpu.wait_indirect_dma semaphore(%arg18 : memref<!tpu.dma_semaphore, #tpu.memory_space<semaphore_mem>>) src(%dma_wait3A_178 : memref<128x128xf32, #tpu.memory_space<vmem>>) dst(%dma_wait3A_184 : memref<10000x128xf32, #tpu.memory_space<vmem_shared>>)
      } else {
      }
      %add3A_69 = arith.constant 2 : i32
      %add3A_70 = arith.addi %add3A_60, %add3A_69 : i32
      %mul3A_71 = arith.constant 32 : i32
      %mul3A_72 = arith.muli %add3A_70, %mul3A_71 : i32
      %add3A_73 = arith.addi %add3A, %mul3A_72 : i32
      %lt3A_74 = arith.constant 2500 : i32
      %lt3A_75 = arith.cmpi slt, %add3A_73, %lt3A_74 : i32
      %convert_element_type3A_76 = arith.extui %lt3A_75 : i1 to i32
      %cond3A_77 = arith.constant 0 : i32
      %cond3A_78 = arith.cmpi ne, %convert_element_type3A_76, %cond3A_77 : i32
      scf.if %cond3A_78 {
        %mul3A_101 = arith.constant 128 : i32
        %mul3A_102 = arith.muli %add3A_73, %mul3A_101 : i32
        %dma_start3A_103 = arith.constant 0 : i32
        %dma_start3A_104 = arith.constant 0 : i32
        %dma_start3A_105 = arith.constant 0 : i32
        %dma_start3A_106 = tpu.memref_slice %arg10[%dma_start3A_103, %dma_start3A_104, %dma_start3A_105] : memref<2x128x128xf32, #tpu.memory_space<vmem>> -> memref<1x128x128xf32, #tpu.memory_space<vmem>>
        %dma_start3A_107 = tpu.memref_squeeze %dma_start3A_106 : memref<1x128x128xf32, #tpu.memory_space<vmem>> -> memref<128x128xf32, #tpu.memory_space<vmem>>
        %dma_start3A_108 = arith.constant 0 : i32
        %dma_start3A_109 = tpu.memref_slice %arg2[%mul3A_102, %dma_start3A_108] : memref<320000x128xf32, #tpu.memory_space<hbm>> -> memref<128x128xf32, #tpu.memory_space<hbm>>
        %dma_start3A_110 = arith.constant 0 : i32
        %dma_start3A_111 = arith.constant 0 : i32
        %dma_start3A_112 = tpu.memref_slice %arg10[%dma_start3A_103, %dma_start3A_110, %dma_start3A_111] : memref<2x128x128xf32, #tpu.memory_space<vmem>> -> memref<1x128x128xf32, #tpu.memory_space<vmem>>
        %dma_start3A_113 = tpu.memref_squeeze %dma_start3A_112 : memref<1x128x128xf32, #tpu.memory_space<vmem>> -> memref<128x128xf32, #tpu.memory_space<vmem>>
        %dma_start3A_114 = arith.constant 0 : i32
        %dma_start3A_115 = tpu.memref_slice %arg2[%mul3A_102, %dma_start3A_114] : memref<320000x128xf32, #tpu.memory_space<hbm>> -> memref<128x128xf32, #tpu.memory_space<hbm>>
        tpu.enqueue_dma source(%dma_start3A_115 : memref<128x128xf32, #tpu.memory_space<hbm>>) target(%dma_start3A_113 : memref<128x128xf32, #tpu.memory_space<vmem>>) target_semaphore(%arg14 : memref<!tpu.dma_semaphore, #tpu.memory_space<semaphore_mem>>)
        %mul3A_116 = arith.constant 128 : i32
        %mul3A_117 = arith.muli %add3A_73, %mul3A_116 : i32
        %dma_start3A_118 = arith.constant 1 : i32
        %dma_start3A_119 = arith.constant 0 : i32
        %dma_start3A_120 = arith.constant 0 : i32
        %dma_start3A_121 = tpu.memref_slice %arg11[%dma_start3A_119, %dma_start3A_120] : memref<2x128xi32, #tpu.memory_space<vmem>> -> memref<1x128xi32, #tpu.memory_space<vmem>>
        %dma_start3A_122 = tpu.memref_squeeze %dma_start3A_121 : memref<1x128xi32, #tpu.memory_space<vmem>> -> memref<128xi32, #tpu.memory_space<vmem>>
        %dma_start3A_123 = tpu.memref_slice %arg3[%dma_start3A_118, %mul3A_117] : memref<2x320000xi32, #tpu.memory_space<hbm>> -> memref<1x128xi32, #tpu.memory_space<hbm>>
        %dma_start3A_124 = tpu.memref_squeeze %dma_start3A_123 : memref<1x128xi32, #tpu.memory_space<hbm>> -> memref<128xi32, #tpu.memory_space<hbm>>
        %dma_start3A_125 = arith.constant 0 : i32
        %dma_start3A_126 = tpu.memref_slice %arg11[%dma_start3A_119, %dma_start3A_125] : memref<2x128xi32, #tpu.memory_space<vmem>> -> memref<1x128xi32, #tpu.memory_space<vmem>>
        %dma_start3A_127 = tpu.memref_squeeze %dma_start3A_126 : memref<1x128xi32, #tpu.memory_space<vmem>> -> memref<128xi32, #tpu.memory_space<vmem>>
        %dma_start3A_128 = tpu.memref_slice %arg3[%dma_start3A_118, %mul3A_117] : memref<2x320000xi32, #tpu.memory_space<hbm>> -> memref<1x128xi32, #tpu.memory_space<hbm>>
        %dma_start3A_129 = tpu.memref_squeeze %dma_start3A_128 : memref<1x128xi32, #tpu.memory_space<hbm>> -> memref<128xi32, #tpu.memory_space<hbm>>
        tpu.enqueue_dma source(%dma_start3A_129 : memref<128xi32, #tpu.memory_space<hbm>>) target(%dma_start3A_127 : memref<128xi32, #tpu.memory_space<vmem>>) target_semaphore(%arg16 : memref<!tpu.dma_semaphore, #tpu.memory_space<semaphore_mem>>)
      } else {
      }
      %mul3A_79 = arith.constant 2 : i32
      %mul3A_80 = arith.muli %scan3A_56, %mul3A_79 : i32
      %add3A_81 = arith.constant 1 : i32
      %add3A_82 = arith.addi %mul3A_80, %add3A_81 : i32
      %mul3A_83 = arith.constant 32 : i32
      %mul3A_84 = arith.muli %add3A_82, %mul3A_83 : i32
      %add3A_85 = arith.addi %add3A, %mul3A_84 : i32
      %lt3A_86 = arith.constant 2500 : i32
      %lt3A_87 = arith.cmpi slt, %add3A_85, %lt3A_86 : i32
      %convert_element_type3A_88 = arith.extui %lt3A_87 : i1 to i32
      %cond3A_89 = arith.constant 0 : i32
      %cond3A_90 = arith.cmpi ne, %convert_element_type3A_88, %cond3A_89 : i32
      scf.if %cond3A_90 {
        %dma_wait3A_101 = arith.constant 1 : i32
        %dma_wait3A_102 = arith.constant 0 : i32
        %dma_wait3A_103 = arith.constant 0 : i32
        %dma_wait3A_104 = tpu.memref_slice %arg10[%dma_wait3A_101, %dma_wait3A_102, %dma_wait3A_103] : memref<2x128x128xf32, #tpu.memory_space<vmem>> -> memref<1x128x128xf32, #tpu.memory_space<vmem>>
        %dma_wait3A_105 = tpu.memref_squeeze %dma_wait3A_104 : memref<1x128x128xf32, #tpu.memory_space<vmem>> -> memref<128x128xf32, #tpu.memory_space<vmem>>
        %dma_wait3A_106 = arith.constant 0 : i32
        %dma_wait3A_107 = arith.constant 0 : i32
        %dma_wait3A_108 = tpu.memref_slice %arg2[%dma_wait3A_106, %dma_wait3A_107] : memref<320000x128xf32, #tpu.memory_space<hbm>> -> memref<128x128xf32, #tpu.memory_space<hbm>>
        %dma_wait3A_109 = arith.constant 0 : i32
        %dma_wait3A_110 = arith.constant 0 : i32
        %dma_wait3A_111 = tpu.memref_slice %arg10[%dma_wait3A_101, %dma_wait3A_109, %dma_wait3A_110] : memref<2x128x128xf32, #tpu.memory_space<vmem>> -> memref<1x128x128xf32, #tpu.memory_space<vmem>>
        %dma_wait3A_112 = tpu.memref_squeeze %dma_wait3A_111 : memref<1x128x128xf32, #tpu.memory_space<vmem>> -> memref<128x128xf32, #tpu.memory_space<vmem>>
        %dma_wait3A_113 = arith.constant 0 : i32
        %dma_wait3A_114 = arith.constant 0 : i32
        %dma_wait3A_115 = tpu.memref_slice %arg2[%dma_wait3A_113, %dma_wait3A_114] : memref<320000x128xf32, #tpu.memory_space<hbm>> -> memref<128x128xf32, #tpu.memory_space<hbm>>
        tpu.wait_dma2 semaphore(%arg15 : memref<!tpu.dma_semaphore, #tpu.memory_space<semaphore_mem>>) src(%dma_wait3A_115 : memref<128x128xf32, #tpu.memory_space<hbm>>) dst(%dma_wait3A_112 : memref<128x128xf32, #tpu.memory_space<vmem>>)
        %dma_wait3A_116 = arith.constant 1 : i32
        %dma_wait3A_117 = arith.constant 1 : i32
        %dma_wait3A_118 = arith.constant 0 : i32
        %dma_wait3A_119 = tpu.memref_slice %arg11[%dma_wait3A_117, %dma_wait3A_118] : memref<2x128xi32, #tpu.memory_space<vmem>> -> memref<1x128xi32, #tpu.memory_space<vmem>>
        %dma_wait3A_120 = tpu.memref_squeeze %dma_wait3A_119 : memref<1x128xi32, #tpu.memory_space<vmem>> -> memref<128xi32, #tpu.memory_space<vmem>>
        %dma_wait3A_121 = arith.constant 0 : i32
        %dma_wait3A_122 = tpu.memref_slice %arg3[%dma_wait3A_116, %dma_wait3A_121] : memref<2x320000xi32, #tpu.memory_space<hbm>> -> memref<1x128xi32, #tpu.memory_space<hbm>>
        %dma_wait3A_123 = tpu.memref_squeeze %dma_wait3A_122 : memref<1x128xi32, #tpu.memory_space<hbm>> -> memref<128xi32, #tpu.memory_space<hbm>>
        %dma_wait3A_124 = arith.constant 0 : i32
        %dma_wait3A_125 = tpu.memref_slice %arg11[%dma_wait3A_117, %dma_wait3A_124] : memref<2x128xi32, #tpu.memory_space<vmem>> -> memref<1x128xi32, #tpu.memory_space<vmem>>
        %dma_wait3A_126 = tpu.memref_squeeze %dma_wait3A_125 : memref<1x128xi32, #tpu.memory_space<vmem>> -> memref<128xi32, #tpu.memory_space<vmem>>
        %dma_wait3A_127 = arith.constant 0 : i32
        %dma_wait3A_128 = tpu.memref_slice %arg3[%dma_wait3A_116, %dma_wait3A_127] : memref<2x320000xi32, #tpu.memory_space<hbm>> -> memref<1x128xi32, #tpu.memory_space<hbm>>
        %dma_wait3A_129 = tpu.memref_squeeze %dma_wait3A_128 : memref<1x128xi32, #tpu.memory_space<hbm>> -> memref<128xi32, #tpu.memory_space<hbm>>
        tpu.wait_dma2 semaphore(%arg17 : memref<!tpu.dma_semaphore, #tpu.memory_space<semaphore_mem>>) src(%dma_wait3A_129 : memref<128xi32, #tpu.memory_space<hbm>>) dst(%dma_wait3A_126 : memref<128xi32, #tpu.memory_space<vmem>>)
        %dma_start3A_130 = arith.constant 1 : i32
        %dma_start3A_131 = arith.constant 1 : i32
        %dma_start3A_132 = arith.constant 0 : i32
        %dma_start3A_133 = arith.constant 0 : i32
        %dma_start3A_134 = tpu.memref_slice %arg10[%dma_start3A_130, %dma_start3A_132, %dma_start3A_133] : memref<2x128x128xf32, #tpu.memory_space<vmem>> -> memref<1x128x128xf32, #tpu.memory_space<vmem>>
        %dma_start3A_135 = tpu.memref_squeeze %dma_start3A_134 : memref<1x128x128xf32, #tpu.memory_space<vmem>> -> memref<128x128xf32, #tpu.memory_space<vmem>>
        %dma_start3A_136 = arith.constant 0 : i32
        %dma_start3A_137 = tpu.memref_slice %arg11[%dma_start3A_131, %dma_start3A_136] : memref<2x128xi32, #tpu.memory_space<vmem>> -> memref<1x128xi32, #tpu.memory_space<vmem>>
        %dma_start3A_138 = tpu.memref_squeeze %dma_start3A_137 : memref<1x128xi32, #tpu.memory_space<vmem>> -> memref<128xi32, #tpu.memory_space<vmem>>
        %dma_start3A_139 = arith.constant 0 : i32
        %dma_start3A_140 = arith.constant 0 : i32
        %dma_start3A_141 = tpu.memref_slice %arg13[%dma_start3A_139, %dma_start3A_140] : memref<10000x128xf32, #tpu.memory_space<vmem_shared>> -> memref<10000x128xf32, #tpu.memory_space<vmem_shared>>
        tpu.enqueue_indirect_dma source(%dma_start3A_135 : memref<128x128xf32, #tpu.memory_space<vmem>>) target(%dma_start3A_141 : memref<10000x128xf32, #tpu.memory_space<vmem_shared>>) offsets(%dma_start3A_138 : memref<128xi32, #tpu.memory_space<vmem>>) semaphore(%arg18 : memref<!tpu.dma_semaphore, #tpu.memory_space<semaphore_mem>>) {add = true}
        %get3A = arith.constant 1 : i32
        %get3A_142 = arith.index_cast %get3A : i32 to index
        %get3A_143 = arith.constant 0 : index
        %get3A_144 = tpu.vector_load %arg11[%get3A_142, %get3A_143] {strides = array<i32>} : memref<2x128xi32, #tpu.memory_space<vmem>>, vector<16xi32>,
        tpu.vector_store_idx %arg12[%get3A_144], %broadcast_in_dim3A_22 {add = true} : memref<10000xf32, #tpu.memory_space<vmem>>[vector<16xi32>], vector<16xf32>,
        %get3A_145 = arith.constant 1 : i32
        %get3A_146 = arith.index_cast %get3A_145 : i32 to index
        %get3A_147 = arith.constant 16 : index
        %get3A_148 = tpu.vector_load %arg11[%get3A_146, %get3A_147] {strides = array<i32>} : memref<2x128xi32, #tpu.memory_space<vmem>>, vector<16xi32>,
        tpu.vector_store_idx %arg12[%get3A_148], %broadcast_in_dim3A_22 {add = true} : memref<10000xf32, #tpu.memory_space<vmem>>[vector<16xi32>], vector<16xf32>,
        %get3A_149 = arith.constant 1 : i32
        %get3A_150 = arith.index_cast %get3A_149 : i32 to index
        %get3A_151 = arith.constant 32 : index
        %get3A_152 = tpu.vector_load %arg11[%get3A_150, %get3A_151] {strides = array<i32>} : memref<2x128xi32, #tpu.memory_space<vmem>>, vector<16xi32>,
        tpu.vector_store_idx %arg12[%get3A_152], %broadcast_in_dim3A_22 {add = true} : memref<10000xf32, #tpu.memory_space<vmem>>[vector<16xi32>], vector<16xf32>,
        %get3A_153 = arith.constant 1 : i32
        %get3A_154 = arith.index_cast %get3A_153 : i32 to index
        %get3A_155 = arith.constant 48 : index
        %get3A_156 = tpu.vector_load %arg11[%get3A_154, %get3A_155] {strides = array<i32>} : memref<2x128xi32, #tpu.memory_space<vmem>>, vector<16xi32>,
        tpu.vector_store_idx %arg12[%get3A_156], %broadcast_in_dim3A_22 {add = true} : memref<10000xf32, #tpu.memory_space<vmem>>[vector<16xi32>], vector<16xf32>,
        %get3A_157 = arith.constant 1 : i32
        %get3A_158 = arith.index_cast %get3A_157 : i32 to index
        %get3A_159 = arith.constant 64 : index
        %get3A_160 = tpu.vector_load %arg11[%get3A_158, %get3A_159] {strides = array<i32>} : memref<2x128xi32, #tpu.memory_space<vmem>>, vector<16xi32>,
        tpu.vector_store_idx %arg12[%get3A_160], %broadcast_in_dim3A_22 {add = true} : memref<10000xf32, #tpu.memory_space<vmem>>[vector<16xi32>], vector<16xf32>,
        %get3A_161 = arith.constant 1 : i32
        %get3A_162 = arith.index_cast %get3A_161 : i32 to index
        %get3A_163 = arith.constant 80 : index
        %get3A_164 = tpu.vector_load %arg11[%get3A_162, %get3A_163] {strides = array<i32>} : memref<2x128xi32, #tpu.memory_space<vmem>>, vector<16xi32>,
        tpu.vector_store_idx %arg12[%get3A_164], %broadcast_in_dim3A_22 {add = true} : memref<10000xf32, #tpu.memory_space<vmem>>[vector<16xi32>], vector<16xf32>,
        %get3A_165 = arith.constant 1 : i32
        %get3A_166 = arith.index_cast %get3A_165 : i32 to index
        %get3A_167 = arith.constant 96 : index
        %get3A_168 = tpu.vector_load %arg11[%get3A_166, %get3A_167] {strides = array<i32>} : memref<2x128xi32, #tpu.memory_space<vmem>>, vector<16xi32>,
        tpu.vector_store_idx %arg12[%get3A_168], %broadcast_in_dim3A_22 {add = true} : memref<10000xf32, #tpu.memory_space<vmem>>[vector<16xi32>], vector<16xf32>,
        %get3A_169 = arith.constant 1 : i32
        %get3A_170 = arith.index_cast %get3A_169 : i32 to index
        %get3A_171 = arith.constant 112 : index
        %get3A_172 = tpu.vector_load %arg11[%get3A_170, %get3A_171] {strides = array<i32>} : memref<2x128xi32, #tpu.memory_space<vmem>>, vector<16xi32>,
        tpu.vector_store_idx %arg12[%get3A_172], %broadcast_in_dim3A_22 {add = true} : memref<10000xf32, #tpu.memory_space<vmem>>[vector<16xi32>], vector<16xf32>,
        %dma_wait3A_173 = arith.constant 1 : i32
        %dma_wait3A_174 = arith.constant 1 : i32
        %dma_wait3A_175 = arith.constant 0 : i32
        %dma_wait3A_176 = arith.constant 0 : i32
        %dma_wait3A_177 = tpu.memref_slice %arg10[%dma_wait3A_173, %dma_wait3A_175, %dma_wait3A_176] : memref<2x128x128xf32, #tpu.memory_space<vmem>> -> memref<1x128x128xf32, #tpu.memory_space<vmem>>
        %dma_wait3A_178 = tpu.memref_squeeze %dma_wait3A_177 : memref<1x128x128xf32, #tpu.memory_space<vmem>> -> memref<128x128xf32, #tpu.memory_space<vmem>>
        %dma_wait3A_179 = arith.constant 0 : i32
        %dma_wait3A_180 = tpu.memref_slice %arg11[%dma_wait3A_174, %dma_wait3A_179] : memref<2x128xi32, #tpu.memory_space<vmem>> -> memref<1x128xi32, #tpu.memory_space<vmem>>
        %dma_wait3A_181 = tpu.memref_squeeze %dma_wait3A_180 : memref<1x128xi32, #tpu.memory_space<vmem>> -> memref<128xi32, #tpu.memory_space<vmem>>
        %dma_wait3A_182 = arith.constant 0 : i32
        %dma_wait3A_183 = arith.constant 0 : i32
        %dma_wait3A_184 = tpu.memref_slice %arg13[%dma_wait3A_182, %dma_wait3A_183] : memref<10000x128xf32, #tpu.memory_space<vmem_shared>> -> memref<10000x128xf32, #tpu.memory_space<vmem_shared>>
        tpu.wait_indirect_dma semaphore(%arg18 : memref<!tpu.dma_semaphore, #tpu.memory_space<semaphore_mem>>) src(%dma_wait3A_178 : memref<128x128xf32, #tpu.memory_space<vmem>>) dst(%dma_wait3A_184 : memref<10000x128xf32, #tpu.memory_space<vmem_shared>>)
      } else {
      }
      %add3A_91 = arith.constant 2 : i32
      %add3A_92 = arith.addi %add3A_82, %add3A_91 : i32
      %mul3A_93 = arith.constant 32 : i32
      %mul3A_94 = arith.muli %add3A_92, %mul3A_93 : i32
      %add3A_95 = arith.addi %add3A, %mul3A_94 : i32
      %lt3A_96 = arith.constant 2500 : i32
      %lt3A_97 = arith.cmpi slt, %add3A_95, %lt3A_96 : i32
      %convert_element_type3A_98 = arith.extui %lt3A_97 : i1 to i32
      %cond3A_99 = arith.constant 0 : i32
      %cond3A_100 = arith.cmpi ne, %convert_element_type3A_98, %cond3A_99 : i32
      scf.if %cond3A_100 {
        %mul3A_101 = arith.constant 128 : i32
        %mul3A_102 = arith.muli %add3A_95, %mul3A_101 : i32
        %dma_start3A_103 = arith.constant 1 : i32
        %dma_start3A_104 = arith.constant 0 : i32
        %dma_start3A_105 = arith.constant 0 : i32
        %dma_start3A_106 = tpu.memref_slice %arg10[%dma_start3A_103, %dma_start3A_104, %dma_start3A_105] : memref<2x128x128xf32, #tpu.memory_space<vmem>> -> memref<1x128x128xf32, #tpu.memory_space<vmem>>
        %dma_start3A_107 = tpu.memref_squeeze %dma_start3A_106 : memref<1x128x128xf32, #tpu.memory_space<vmem>> -> memref<128x128xf32, #tpu.memory_space<vmem>>
        %dma_start3A_108 = arith.constant 0 : i32
        %dma_start3A_109 = tpu.memref_slice %arg2[%mul3A_102, %dma_start3A_108] : memref<320000x128xf32, #tpu.memory_space<hbm>> -> memref<128x128xf32, #tpu.memory_space<hbm>>
        %dma_start3A_110 = arith.constant 0 : i32
        %dma_start3A_111 = arith.constant 0 : i32
        %dma_start3A_112 = tpu.memref_slice %arg10[%dma_start3A_103, %dma_start3A_110, %dma_start3A_111] : memref<2x128x128xf32, #tpu.memory_space<vmem>> -> memref<1x128x128xf32, #tpu.memory_space<vmem>>
        %dma_start3A_113 = tpu.memref_squeeze %dma_start3A_112 : memref<1x128x128xf32, #tpu.memory_space<vmem>> -> memref<128x128xf32, #tpu.memory_space<vmem>>
        %dma_start3A_114 = arith.constant 0 : i32
        %dma_start3A_115 = tpu.memref_slice %arg2[%mul3A_102, %dma_start3A_114] : memref<320000x128xf32, #tpu.memory_space<hbm>> -> memref<128x128xf32, #tpu.memory_space<hbm>>
        tpu.enqueue_dma source(%dma_start3A_115 : memref<128x128xf32, #tpu.memory_space<hbm>>) target(%dma_start3A_113 : memref<128x128xf32, #tpu.memory_space<vmem>>) target_semaphore(%arg15 : memref<!tpu.dma_semaphore, #tpu.memory_space<semaphore_mem>>)
        %mul3A_116 = arith.constant 128 : i32
        %mul3A_117 = arith.muli %add3A_95, %mul3A_116 : i32
        %dma_start3A_118 = arith.constant 1 : i32
        %dma_start3A_119 = arith.constant 1 : i32
        %dma_start3A_120 = arith.constant 0 : i32
        %dma_start3A_121 = tpu.memref_slice %arg11[%dma_start3A_119, %dma_start3A_120] : memref<2x128xi32, #tpu.memory_space<vmem>> -> memref<1x128xi32, #tpu.memory_space<vmem>>
        %dma_start3A_122 = tpu.memref_squeeze %dma_start3A_121 : memref<1x128xi32, #tpu.memory_space<vmem>> -> memref<128xi32, #tpu.memory_space<vmem>>
        %dma_start3A_123 = tpu.memref_slice %arg3[%dma_start3A_118, %mul3A_117] : memref<2x320000xi32, #tpu.memory_space<hbm>> -> memref<1x128xi32, #tpu.memory_space<hbm>>
        %dma_start3A_124 = tpu.memref_squeeze %dma_start3A_123 : memref<1x128xi32, #tpu.memory_space<hbm>> -> memref<128xi32, #tpu.memory_space<hbm>>
        %dma_start3A_125 = arith.constant 0 : i32
        %dma_start3A_126 = tpu.memref_slice %arg11[%dma_start3A_119, %dma_start3A_125] : memref<2x128xi32, #tpu.memory_space<vmem>> -> memref<1x128xi32, #tpu.memory_space<vmem>>
        %dma_start3A_127 = tpu.memref_squeeze %dma_start3A_126 : memref<1x128xi32, #tpu.memory_space<vmem>> -> memref<128xi32, #tpu.memory_space<vmem>>
        %dma_start3A_128 = tpu.memref_slice %arg3[%dma_start3A_118, %mul3A_117] : memref<2x320000xi32, #tpu.memory_space<hbm>> -> memref<1x128xi32, #tpu.memory_space<hbm>>
        %dma_start3A_129 = tpu.memref_squeeze %dma_start3A_128 : memref<1x128xi32, #tpu.memory_space<hbm>> -> memref<128xi32, #tpu.memory_space<hbm>>
        tpu.enqueue_dma source(%dma_start3A_129 : memref<128xi32, #tpu.memory_space<hbm>>) target(%dma_start3A_127 : memref<128xi32, #tpu.memory_space<vmem>>) target_semaphore(%arg17 : memref<!tpu.dma_semaphore, #tpu.memory_space<semaphore_mem>>)
      } else {
      }
    }
    %scan3A_40 = arith.constant 40 : i32
    %barrier3A_41 = arith.constant 0 : index
    tpu.barrier barrier_id(%barrier3A_41)
    %dma_start3A = arith.constant 0 : i32
    %dma_start3A_42 = tpu.memref_slice %arg8[%arg0, %mul3A_4, %dma_start3A] <%select_n3A> : memref<2x10000x128xf32, #tpu.memory_space<hbm>> -> memref<1x?x128xf32, #tpu.memory_space<hbm>>
    %dma_start3A_43 = tpu.memref_squeeze %dma_start3A_42 : memref<1x?x128xf32, #tpu.memory_space<hbm>> -> memref<?x128xf32, #tpu.memory_space<hbm>>
    %dma_start3A_44 = arith.constant 0 : i32
    %dma_start3A_45 = tpu.memref_slice %arg13[%mul3A_4, %dma_start3A_44] <%select_n3A> : memref<10000x128xf32, #tpu.memory_space<vmem_shared>> -> memref<?x128xf32, #tpu.memory_space<vmem_shared>>
    tpu.enqueue_dma source(%dma_start3A_45 : memref<?x128xf32, #tpu.memory_space<vmem_shared>>) target(%dma_start3A_43 : memref<?x128xf32, #tpu.memory_space<hbm>>) target_semaphore(%arg14 : memref<!tpu.dma_semaphore, #tpu.memory_space<semaphore_mem>>)
    %mul3A_46 = arith.constant 10000 : i32
    %mul3A_47 = arith.muli %add3A, %mul3A_46 : i32
    %dma_start3A_48 = tpu.memref_slice %arg9[%mul3A_47] : memref<320000xf32, #tpu.memory_space<hbm>> -> memref<10000xf32, #tpu.memory_space<hbm>>
    %dma_start3A_49 = tpu.memref_slice %arg9[%mul3A_47] : memref<320000xf32, #tpu.memory_space<hbm>> -> memref<10000xf32, #tpu.memory_space<hbm>>
    tpu.enqueue_dma source(%arg12 : memref<10000xf32, #tpu.memory_space<vmem>>) target(%dma_start3A_49 : memref<10000xf32, #tpu.memory_space<hbm>>) target_semaphore(%arg16 : memref<!tpu.dma_semaphore, #tpu.memory_space<semaphore_mem>>)
    %dma_wait3A = arith.constant 0 : i32
    %dma_wait3A_50 = tpu.memref_slice %arg8[%arg0, %mul3A_4, %dma_wait3A] <%select_n3A> : memref<2x10000x128xf32, #tpu.memory_space<hbm>> -> memref<1x?x128xf32, #tpu.memory_space<hbm>>
    %dma_wait3A_51 = tpu.memref_squeeze %dma_wait3A_50 : memref<1x?x128xf32, #tpu.memory_space<hbm>> -> memref<?x128xf32, #tpu.memory_space<hbm>>
    %dma_wait3A_52 = arith.constant 0 : i32
    %dma_wait3A_53 = tpu.memref_slice %arg13[%mul3A_4, %dma_wait3A_52] <%select_n3A> : memref<10000x128xf32, #tpu.memory_space<vmem_shared>> -> memref<?x128xf32, #tpu.memory_space<vmem_shared>>
    tpu.wait_dma2 semaphore(%arg14 : memref<!tpu.dma_semaphore, #tpu.memory_space<semaphore_mem>>) src(%dma_wait3A_53 : memref<?x128xf32, #tpu.memory_space<vmem_shared>>) dst(%dma_wait3A_51 : memref<?x128xf32, #tpu.memory_space<hbm>>)
    %dma_wait3A_54 = tpu.memref_slice %arg9[%mul3A_47] : memref<320000xf32, #tpu.memory_space<hbm>> -> memref<10000xf32, #tpu.memory_space<hbm>>
    %dma_wait3A_55 = tpu.memref_slice %arg9[%mul3A_47] : memref<320000xf32, #tpu.memory_space<hbm>> -> memref<10000xf32, #tpu.memory_space<hbm>>
    tpu.wait_dma2 semaphore(%arg16 : memref<!tpu.dma_semaphore, #tpu.memory_space<semaphore_mem>>) src(%arg12 : memref<10000xf32, #tpu.memory_space<vmem>>) dst(%dma_wait3A_55 : memref<10000xf32, #tpu.memory_space<hbm>>)
    return
  }
}

module attributes {stable_mosaic.version = 14 : i64} {
  func.func @_tc_combine_body(%arg0: i32, %arg1: memref<2000x128xf32, #tpu.memory_space<vmem>>, %arg2: memref<2x2000x128xf32, #tpu.memory_space<vmem>>, %arg3: memref<2000x32xf32, #tpu.memory_space<vmem>>, %arg4: memref<128x128xf32, #tpu.memory_space<vmem>>, %arg5: memref<128x128xf32, #tpu.memory_space<vmem>>, %arg6: memref<1x128xf32, #tpu.memory_space<vmem>>, %arg7: memref<2000x128xf32, #tpu.memory_space<vmem>>, %arg8: memref<2000x128xf32, #tpu.memory_space<vmem>>) attributes {dimension_semantics = [#tpu.dimension_semantics<arbitrary>], iteration_bounds = array<i64: 5>, scalar_prefetch = 0 : i64, scratch_operands = 0 : i64, tpu.core_type = #tpu.core_type<tc>, window_params = [{transform_indices = @transform_0, window_bounds = array<i64: 2000, 128>}, {transform_indices = @transform_1, window_bounds = array<i64: 2, 2000, 128>}, {transform_indices = @transform_2, window_bounds = array<i64: 2000, 32>}, {pipeline_mode = #tpu.pipeline_mode<synchronous>, transform_indices = @transform_3, window_bounds = array<i64: 128, 128>}, {pipeline_mode = #tpu.pipeline_mode<synchronous>, transform_indices = @transform_4, window_bounds = array<i64: 128, 128>}, {pipeline_mode = #tpu.pipeline_mode<synchronous>, transform_indices = @transform_5, window_bounds = array<i64: 1, 128>}, {transform_indices = @transform_6, window_bounds = array<i64: 2000, 128>}, {transform_indices = @transform_7, window_bounds = array<i64: 2000, 128>}]} {
    %get3A = arith.constant 0 : index
    %get3A_0 = arith.constant 0 : index
    %get3A_1 = arith.constant 0 : index
    %get3A_2 = vector.load %arg2[%get3A, %get3A_0, %get3A_1] : memref<2x2000x128xf32, #tpu.memory_space<vmem>>, vector<1x2000x128xf32>
    %get3A_3 = vector.shape_cast %get3A_2 : vector<1x2000x128xf32> to vector<2000x128xf32>
    %get3A_4 = arith.constant 1 : index
    %get3A_5 = arith.constant 0 : index
    %get3A_6 = arith.constant 0 : index
    %get3A_7 = vector.load %arg2[%get3A_4, %get3A_5, %get3A_6] : memref<2x2000x128xf32, #tpu.memory_space<vmem>>, vector<1x2000x128xf32>
    %get3A_8 = vector.shape_cast %get3A_7 : vector<1x2000x128xf32> to vector<2000x128xf32>
    %add3A = arith.addf %get3A_3, %get3A_8 : vector<2000x128xf32>
    %get3A_9 = arith.constant 0 : index
    %get3A_10 = arith.constant 0 : index
    %get3A_11 = vector.load %arg3[%get3A_9, %get3A_10] : memref<2000x32xf32, #tpu.memory_space<vmem>>, vector<2000x32xf32>
    %reduce_sum3A = arith.constant dense<0.000000e+00> : vector<2000xf32>
    %reduce_sum3A_12 = vector.multi_reduction <add>, %get3A_11, %reduce_sum3A [1] : vector<2000x32xf32> to vector<2000xf32>
    %broadcast_in_dim3A = vector.shape_cast %reduce_sum3A_12 : vector<2000xf32> to vector<2000x1xf32>
    %add3A_13 = arith.constant 1.000000e+00 : f32
    %add3A_14 = vector.broadcast %add3A_13 : f32 to vector<2000x1xf32>
    %add3A_15 = arith.addf %broadcast_in_dim3A, %add3A_14 : vector<2000x1xf32>
    %div3A = arith.constant 1.000000e+00 : f32
    %div3A_16 = vector.broadcast %div3A : f32 to vector<2000x1xf32>
    %div3A_17 = arith.divf %div3A_16, %add3A_15 : vector<2000x1xf32>
    %mul3A = vector.broadcast %div3A_17 : vector<2000x1xf32> to vector<2000x128xf32>
    %mul3A_18 = arith.mulf %add3A, %mul3A : vector<2000x128xf32>
    %get3A_19 = arith.constant 0 : index
    %get3A_20 = arith.constant 0 : index
    %get3A_21 = vector.load %arg1[%get3A_19, %get3A_20] : memref<2000x128xf32, #tpu.memory_space<vmem>>, vector<2000x128xf32>
    %get3A_22 = arith.constant 0 : index
    %get3A_23 = arith.constant 0 : index
    %get3A_24 = vector.load %arg4[%get3A_22, %get3A_23] : memref<128x128xf32, #tpu.memory_space<vmem>>, vector<128x128xf32>
    %dot_general3A = arith.constant dense<0.000000e+00> : vector<2000x128xf32>
    %dot_general3A_25 = tpu.matmul %get3A_21, %get3A_24, %dot_general3A {dimension_numbers = #tpu.dot_dimension_numbers<[1], [0], [0], [1], [0, 0, 1, 1], [], []>, transpose_lhs_hint = false} : vector<2000x128xf32>, vector<128x128xf32>, vector<2000x128xf32> -> vector<2000x128xf32>
    %get3A_26 = arith.constant 0 : index
    %get3A_27 = arith.constant 0 : index
    %get3A_28 = vector.load %arg5[%get3A_26, %get3A_27] : memref<128x128xf32, #tpu.memory_space<vmem>>, vector<128x128xf32>
    %dot_general3A_29 = arith.constant dense<0.000000e+00> : vector<2000x128xf32>
    %dot_general3A_30 = tpu.matmul %mul3A_18, %get3A_28, %dot_general3A_29 {dimension_numbers = #tpu.dot_dimension_numbers<[1], [0], [0], [1], [0, 0, 1, 1], [], []>, transpose_lhs_hint = false} : vector<2000x128xf32>, vector<128x128xf32>, vector<2000x128xf32> -> vector<2000x128xf32>
    %add3A_31 = arith.addf %dot_general3A_25, %dot_general3A_30 : vector<2000x128xf32>
    %get3A_32 = arith.constant 0 : index
    %get3A_33 = arith.constant 0 : index
    %get3A_34 = vector.load %arg6[%get3A_32, %get3A_33] : memref<1x128xf32, #tpu.memory_space<vmem>>, vector<1x128xf32>
    %add3A_35 = vector.broadcast %get3A_34 : vector<1x128xf32> to vector<2000x128xf32>
    %add3A_36 = arith.addf %add3A_31, %add3A_35 : vector<2000x128xf32>
    %swap3A = arith.constant 0 : index
    %swap3A_37 = arith.constant 0 : index
    %swap3A_38 = vector.load %arg7[%swap3A, %swap3A_37] : memref<2000x128xf32, #tpu.memory_space<vmem>>, vector<2000x128xf32>
    tpu.vector_store %arg7[%swap3A, %swap3A_37], %add3A_36 {strides = array<i32>} : memref<2000x128xf32, #tpu.memory_space<vmem>>, vector<2000x128xf32>,
    %swap3A_39 = arith.constant 0 : index
    %swap3A_40 = arith.constant 0 : index
    %swap3A_41 = vector.load %arg8[%swap3A_39, %swap3A_40] : memref<2000x128xf32, #tpu.memory_space<vmem>>, vector<2000x128xf32>
    tpu.vector_store %arg8[%swap3A_39, %swap3A_40], %add3A {strides = array<i32>} : memref<2000x128xf32, #tpu.memory_space<vmem>>, vector<2000x128xf32>,
    return
  }
  func.func @transform_0(%arg0: i32) -> (i32, i32) {
    %c0_i32 = arith.constant 0 : i32
    %c0_i32_0 = arith.constant 0 : i32
    return %arg0, %c0_i32 : i32, i32
  }
  func.func @transform_1(%arg0: i32) -> (i32, i32, i32) {
    %c0_i32 = arith.constant 0 : i32
    %c0_i32_0 = arith.constant 0 : i32
    %c0_i32_1 = arith.constant 0 : i32
    return %c0_i32, %arg0, %c0_i32_0 : i32, i32, i32
  }
  func.func @transform_2(%arg0: i32) -> (i32, i32) {
    %c0_i32 = arith.constant 0 : i32
    %c0_i32_0 = arith.constant 0 : i32
    return %arg0, %c0_i32 : i32, i32
  }
  func.func @transform_3(%arg0: i32) -> (i32, i32) {
    %c0_i32 = arith.constant 0 : i32
    %c0_i32_0 = arith.constant 0 : i32
    %c0_i32_1 = arith.constant 0 : i32
    return %c0_i32, %c0_i32_0 : i32, i32
  }
  func.func @transform_4(%arg0: i32) -> (i32, i32) {
    %c0_i32 = arith.constant 0 : i32
    %c0_i32_0 = arith.constant 0 : i32
    %c0_i32_1 = arith.constant 0 : i32
    return %c0_i32, %c0_i32_0 : i32, i32
  }
  func.func @transform_5(%arg0: i32) -> (i32, i32) {
    %c0_i32 = arith.constant 0 : i32
    %c0_i32_0 = arith.constant 0 : i32
    %c0_i32_1 = arith.constant 0 : i32
    return %c0_i32, %c0_i32_0 : i32, i32
  }
  func.func @transform_6(%arg0: i32) -> (i32, i32) {
    %c0_i32 = arith.constant 0 : i32
    %c0_i32_0 = arith.constant 0 : i32
    return %arg0, %c0_i32 : i32, i32
  }
  func.func @transform_7(%arg0: i32) -> (i32, i32) {
    %c0_i32 = arith.constant 0 : i32
    %c0_i32_0 = arith.constant 0 : i32
    return %arg0, %c0_i32 : i32, i32
  }
}

</mosaic_0001>

<sc_bundles>
// kernel: kernel.4.cloned.1.call-start
scs
__scs_entry_jumppad:
0x0: {  	(pc) =	sbr.rel $0x88, $3  }
0x1: {  	(tag) =	ssettag $0x0;
	lr =	simm.s32 $0x1  }
0x2: {  	[smem:$0x3F98] =	sst lr;
	_ =	strace $0xD0000000  }
0x3: {  	_ = 	snop  }
0x4: {  	_ = 	snop  }
0x5: {  	_ = 	snop  }
0x6: {  	_ = 	snop  }
0x7: {  	_ = 	snop  }
__scs_overlays_trampoline_lowered:
0x8: {  	[smem:$0x3FA7] =	sst s0  }
0x9: {  	[smem:$0x3FA8] =	sst s1  }
0xa: {  	[smem:$0x3FA9] =	sst s2  }
0xb: {  	[smem:$0x3FAA] =	sst s3  }
0xc: {  	[smem:$0x3FAB] =	sst s4  }
0xd: {  	[smem:$0x3FAC] =	sst s5  }
0xe: {  	[smem:$0x3FAD] =	sst s6  }
0xf: {  	[smem:$0x3FAE] =	sst s7  }
0x10: {  	[smem:$0x3FAF] =	sst s8  }
0x11: {  	[smem:$0x3FB0] =	sst s9;
	s0 =	simm.s32 @!p0 $0x0  }
0x12: {  	s1 =	sld [smem:$0x3F96];
	s0 =	simm.s32 @p0 $0x1  }
0x13: {  	[smem:$0x3FB1] =	sst s0;
	s0 =	simm.s32 @!p1 $0x0  }
0x14: {  	s2 =	sld [smem:$0x3F95];
	s0 =	simm.s32 @p1 $0x1  }
0x15: {  	[smem:$0x3FB2] =	sst s0;
	s0 =	simm.s32 @!p2 $0x0  }
0x16: {  	s3 =	sld [smem:$0x3FDB];
	s0 =	simm.s32 @p2 $0x1  }
0x17: {  	s4 =	simm.s32 $0x1BF5;
	[smem:$0x3FB4] =	sst s0  }
0x18: {  	s0 =	sld [smem:$0x3F97];
	_ =	swait.ge [sflag:s4], $0x0  }
0x19: {  	s7 =	sld [smem:$0x3F98]  }
0x1a: {  	s8 =	sadd.s32 $0xFFFFE003, lr  }
0x1b: {  	s9 =	sadd.s32 $0xFFFFFEF7, lr;
	s5 =	simm.s32 $0xFFFFFFFF;
	p2 =	slt.u32 s8, $0xFFFFF086  }
0x1c: {  	p1 =	slt.u32 s9, $0xF7A;
	s5 =	simm.s32 @!p2 $0x0  }
0x1d: {  	s5 =	simm.s32 @p1 $0x1;
	p0 =	seq.s32 s7, s2  }
0x1e: {  	s7 =	smul.u32 @!p0 $0xF7A, s2;
	p2 =	seq.s32 @!p0 s5, $0x0  }
0x1f: {  	s9 =	smul.u32 $0xF7A, s1;
	s8 =	simm.s32 @!p0 $0x1BF5;
	p2 =	por !p2, p0  }
0x20: {  	[sflag:s8] =	ssyncset.s32 @!p0 $0xFFFFF086;
	s6 =	sadd.s32 @!p0 s3, s7;
	s7 =	simm.s32 @!p0 $0x108  }
0x21: {  	s3 =	sadd.s32 s3, s9;
	s6 =	sadd.s32 @!p0 $0x88, s6;
	s7 =	simm.s32 @p2 $0x1082  }
0x22: {  	[simem:s7], [sflag:s8] =	dma.local @!p0 [hbm:s6], $0xF7A  }
0x23: {  	s9 =	sor.u32 $0xD0000000, s2;
	s6 =	simm.s32 $0x108;
	_ =	swait.ge @!p0 [sflag:s8], $0x0  }
0x24: {  	s3 =	sadd.s32 $0x88, s3;
	s6 =	simm.s32 @!p1 $0x1082;
	[sflag:s4] =	ssyncset.s32 $0xFFFFF086  }
0x25: {  	[simem:s6], [sflag:s4] =	dma.local [hbm:s3], $0xF7A  }
0x26: {  	[smem:$0x3F98] =	sst s1;
	(tag) =	ssettag s2;
	_ =	strace s9  }
0x27: {  	s1 =	sld [smem:$0x3FA8]  }
0x28: {  	s2 =	sld [smem:$0x3FA9]  }
0x29: {  	s4 =	sld [smem:$0x3FAB]  }
0x2a: {  	p0 =	seq.s32 s5, $0x0;
	s5 =	sld [smem:$0x3FAC]  }
0x2b: {  	s6 =	sld [smem:$0x3FAD]  }
0x2c: {  	s7 =	sld [smem:$0x3FAE]  }
0x2d: {  	s3 =	simm.s32 $0x108;
	s8 =	sld [smem:$0x3FAF]  }
0x2e: {  	s3 =	simm.s32 @!p0 $0x1082;
	s9 =	sld [smem:$0x3FB0]  }
0x2f: {  	lr =	sadd.s32 s0, s3;
	s0 =	sld [smem:$0x3FA7]  }
0x30: {  	s3 =	sld [smem:$0x3FAA]  }
0x31: {  	[smem:$0x3FB3] =	sst s10  }
0x32: {  	s10 =	sld [smem:$0x3FB1];
	_ =	sdelay $0x3  }
0x33: {  	p0 =	seq.s32 s10, $0x1;
	s10 =	sld [smem:$0x3FB3];
	_ =	sdelay $0x3  }
0x34: {  	[smem:$0x3FB3] =	sst s10  }
0x35: {  	s10 =	sld [smem:$0x3FB2];
	_ =	sdelay $0x3  }
0x36: {  	p1 =	seq.s32 s10, $0x1;
	s10 =	sld [smem:$0x3FB3];
	_ =	sdelay $0x3  }
0x37: {  	[smem:$0x3FB3] =	sst s10  }
0x38: {  	s10 =	sld [smem:$0x3FB4]  }
0x39: {  	_ = 	snop;
	(pc) =	sbr.ind lr, $3  }
0x3a: {  	_ = 	snop  }
0x3b: {  	_ = 	snop  }
0x3c: {  	p2 =	seq.s32 s10, $0x1;
	s10 =	sld [smem:$0x3FB3]  }
0x3d: {  	_ =	shalt  }
0x3e: {  	_ =	shalt  }
0x3f: {  	_ =	shalt  }
0x40: {  	_ =	shalt  }
0x41: {  	_ =	shalt  }
0x42: {  	_ =	shalt  }
0x43: {  	_ =	shalt  }
0x44: {  	_ =	shalt  }
0x45: {  	_ =	shalt  }
0x46: {  	_ =	shalt  }
0x47: {  	_ =	shalt  }
0x48: {  	_ =	shalt  }
0x49: {  	_ =	shalt  }
0x4a: {  	_ =	shalt  }
0x4b: {  	_ =	shalt  }
0x4c: {  	_ =	shalt  }
0x4d: {  	_ =	shalt  }
0x4e: {  	_ =	shalt  }
0x4f: {  	_ =	shalt  }
0x50: {  	_ =	shalt  }
0x51: {  	_ =	shalt  }
0x52: {  	_ =	shalt  }
0x53: {  	_ =	shalt  }
0x54: {  	_ =	shalt  }
0x55: {  	_ =	shalt  }
0x56: {  	_ =	shalt  }
0x57: {  	_ =	shalt  }
0x58: {  	_ =	shalt  }
0x59: {  	_ =	shalt  }
0x5a: {  	_ =	shalt  }
0x5b: {  	_ =	shalt  }
0x5c: {  	_ =	shalt  }
0x5d: {  	_ =	shalt  }
0x5e: {  	_ =	shalt  }
0x5f: {  	_ =	shalt  }
0x60: {  	_ =	shalt  }
0x61: {  	_ =	shalt  }
0x62: {  	_ =	shalt  }
0x63: {  	_ =	shalt  }
0x64: {  	_ =	shalt  }
0x65: {  	_ =	shalt  }
0x66: {  	_ =	shalt  }
0x67: {  	_ =	shalt  }
0x68: {  	_ =	shalt  }
0x69: {  	_ =	shalt  }
0x6a: {  	_ =	shalt  }
0x6b: {  	_ =	shalt  }
0x6c: {  	_ =	shalt  }
0x6d: {  	_ =	shalt  }
0x6e: {  	_ =	shalt  }
0x6f: {  	_ =	shalt  }
0x70: {  	_ =	shalt  }
0x71: {  	_ =	shalt  }
0x72: {  	_ =	shalt  }
0x73: {  	_ =	shalt  }
0x74: {  	_ =	shalt  }
0x75: {  	_ =	shalt  }
0x76: {  	_ =	shalt  }
0x77: {  	_ =	shalt  }
0x78: {  	_ =	shalt  }
0x79: {  	_ =	shalt  }
0x7a: {  	_ =	shalt  }
0x7b: {  	_ =	shalt  }
0x7c: {  	_ =	shalt  }
0x7d: {  	_ =	shalt  }
0x7e: {  	_ =	shalt  }
0x7f: {  	_ =	shalt  }
0x80: {  	_ =	shalt  }
0x81: {  	_ =	shalt  }
0x82: {  	_ =	shalt  }
0x83: {  	_ =	shalt  }
0x84: {  	_ =	shalt  }
0x85: {  	_ =	shalt  }
0x86: {  	_ =	shalt  }
0x87: {  	_ =	shalt  }
.Lfunc_end0:
.L_simem_size_0:
called_computation_lowered:
.L_overlay_start_0:
0x88: {  	s2 =	sld [smem:$0x3FD9]  }
0x89: {  	s3 =	sld [smem:$0x3FFE];
	_ =	sdelay $0x1  }
0x8a: {  	s1 =	srdreg.scid  }
0x8b: {  	s0 =	sand.u32 $0x1, s1  }
0x8c: {  	s14 =	sshll.u32 s0, $0xA;
	s2 =	sadd.s32 s3, s2  }
0x8d: {  	s2 =	sadd.s32 s2, s14  }
0x8e: {  	[smem:$0x3FBF] =	sst s2  }
0x8f: {  	_ = 	snop  }
0x90: {  	s2 =	sld [smem:$0x3FC8]  }
0x91: {  	s15 =	sld [smem:$0x3FD0]  }
0x92: {  	s4 =	sld [smem:$0x3FC7]  }
0x93: {  	s5 =	sld [smem:$0x3FC6]  }
0x94: {  	s7 =	simm.s32 $0xA;
	s8 =	simm.s32 $0x10;
	s6 =	sld [smem:$0x3FC5]  }
0x95: {  	[smem:s8], [sflag:s7] =	dma.local [hbm:s15], $0x1  }
0x96: {  	_ =	swait.eq [sflag:s7], $0x1  }
0x97: {  	[sflag:s7] =	ssyncset.done $0x0  }
0x98: {  	s16 =	sld [smem:$0x10];
	[sflag:s7] =	ssyncadd.s32 $0xFFFFFFFF  }
0x99: {  	s17 =	sld [smem:$0x11];
	(tm) =	ssettm $0x1  }
0x9a: {  	s18 =	sld [smem:$0x3FFB];
	_ =	sdelay $0x3  }
0x9b: {  	_ =	strace s18  }
0x9c: {  	s8 =	sld [smem:$0x3FFC];
	_ =	sdelay $0x3  }
0x9d: {  	_ =	strace s8  }
0x9e: {  	s8 =	sld [smem:$0x3FFD];
	_ =	sdelay $0x3  }
0x9f: {  	_ =	strace s8  }
0xa0: {  	_ =	strace $0x8FFFFFFF  }
0xa1: {  	s19 =	sld [smem:$0x3FDB];
	_ =	sdelay $0x1  }
0xa2: {  	s9 =	simm.s32 $_scs_section_size  }
0xa3: {  	s10 =	simm.s32 $_size__tile_overlayer_lowered;
	s11 =	simm.s32 $_tile_overlayer_lowered  }
0xa4: {  	s22 =	simm.s32 $0x1BFF;
	s21 =	sshll.u32 s11, $0x1;
	s8 =	sadd.s32 s9, s19  }
0xa5: {  	s12 =	simm.s32 $0x0;
	s20 =	sshll.u32 s10, $0x1;
	s10 =	sadd.s32 s21, s8  }
0xa6: {  	[timem:s12], [sflag:s22] =	dma.local [hbm:s10], s20  }
0xa7: {  	_ =	swait.ge [sflag:s22], s20  }
0xa8: {  	s9 =	ssub.s32 $0x0, s20;
	[sflag:s22] =	ssyncset.done $0x0  }
0xa9: {  	[sflag:s22] =	ssyncadd.s32 s9;
	_ =	sdelay $0x1  }
0xaa: {  	s23 =	simm.s32 $0x1B8B  }
0xab: {  	_ =	swait.ge [sflag:s23], $0x1  }
0xac: {  	[sflag:s23] =	ssyncset.done $0x0  }
0xad: {  	s25 =	simm.s32 $0x1B8E;
	s24 =	sld [smem:$0x3FFE];
	[sflag:s23] =	ssyncadd.s32 $0xFFFFFFFF  }
0xae: {  	s26 =	simm.s32 $execute0_lowered;
	[smem:$0x3FD2] =	sst s25  }
0xaf: {  	s10 =	sshll.u32 s26, $0x1;
	_ =	strace $0x80000046;
	[dreg:$0x1] =	wrdreg $0xFFFFFFFF  }
0xb0: {  	s28 =	simm.s32 $_size_execute0_lowered;
	s8 =	sadd.s32 s8, s10;
	[dreg:$0x0] =	wrdreg $0x0  }
0xb1: {  	s10 =	sshll.u32 s28, $0x1;
	[dreg:$0x2] =	wrdreg s8  }
0xb2: {  	[dreg:$0x3] =	wrdreg s10  }
0xb3: {  	[dreg:$0x4] =	wrdreg $0xC0  }
0xb4: {  	_ =	task [dreg:s12], $0x5FFFF  }
0xb5: {  	[dreg:$0x1] =	wrdreg $0xFFFFFFFF  }
0xb6: {  	[dreg:$0x0] =	wrdreg $0x60  }
0xb7: {  	[dreg:$0x2] =	wrdreg s2  }
0xb8: {  	[dreg:$0x3] =	wrdreg s6  }
0xb9: {  	[dreg:$0x4] =	wrdreg s16  }
0xba: {  	[dreg:$0x5] =	wrdreg s24  }
0xbb: {  	[dreg:$0x6] =	wrdreg s5  }
0xbc: {  	[dreg:$0x7] =	wrdreg s4  }
0xbd: {  	[dreg:$0x8] =	wrdreg s17  }
0xbe: {  	[dreg:$0x9] =	wrdreg $0xA8800  }
0xbf: {  	[dreg:$0xa] =	wrdreg $0x9  }
0xc0: {  	_ =	task.clear_ibuf [dreg:s12], $0xBFFFF;
	_ =	strace $0x90000046  }
0xc1: {  	s29 =	simm.s32 $0x9;
	_ =	strace $0x80000048  }
0xc2: {  	_ =	swait.ge [sflag:s29], $0x1  }
0xc3: {  	[sflag:s29] =	ssyncadd.s32 $0xFFFFFFFF  }
0xc4: {  	_ =	strace $0x90000048  }
0xc5: {  	_ =	sfence  }
0xc6: {  	s30 =	sld [smem:$0x0];
	_ =	sdelay $0x2  }
0xc7: {  	s31 =	sshll.u32 s1, $0xD;
	s1 =	sshrl.u32 s1, $0x2  }
0xc8: {  	s3 =	sand.u32 $0x4000, s31;
	s1 =	sadd.s32 s1, s30  }
0xc9: {  	s0 =	sor.u32 s3, s0;
	s1 =	sshll.u32 s1, $0x11  }
0xca: {  	s0 =	sor.u32 s1, s0  }
0xcb: {  	s0 =	sadd.s32 $0x8F2B, s0  }
0xcc: {  	[sflag:s0] =	ssyncadd.remote.s32 $0x1  }
0xcd: {  	_ =	sfence.sel $0xFFFF  }
0xce: {  	[dreg:$0x0] =	wrdreg $0xFFFFFFFF;
	(pc) =	sbr.abs _section_cstart, $3  }
0xcf: {  	[dreg:$0x1] =	wrdreg $0xFFFFFFFF  }
0xd0: {  	_ =	task.clear_ibuf [dreg:s12], $0x2FFFF;
	_ =	strace $0x9FFFFFFF  }
0xd1: {  	(tm) =	ssettm $0x7FFFFFFF  }
tec
execute0_lowered:
.L_overlay_start_1:
0x0: {  	(tag) =	ssettag $0x1  }
0x1: {  	s0 =	rddreg [dreg:$0x0]  }
0x2: {  	s1 =	rddreg [dreg:$0x1]  }
0x3: {  	s18 =	rddreg [dreg:$0x2]  }
0x4: {  	s5 =	rddreg [dreg:$0x3]  }
0x5: {  	s19 =	rddreg [dreg:$0x4]  }
0x6: {  	s8 =	rddreg [dreg:$0x5];
	s2 =	srdreg.scid  }
0x7: {  	s16 =	rddreg [dreg:$0x6];
	s23 =	stileid.u32;
	s3 =	simm.s32 $0x0  }
0x8: {  	s29 =	simm.s32 $0x1;
	s30 =	simm.s32 $0x3;
	s31 =	simm.s32 $0x0  }
0x9: {  	s20 =	sand.u32 $0x1, s2;
	s2 =	rddreg [dreg:$0x7];
	s6 =	smul.u32 $0x14000, s23  }
0xa: {  	[smem:$0x7FF] =	sst s3;
	p0 =	seq.s32 s23, $0xF;
	s12 =	sadd.s32 $0x10, s1  }
0xb: {  	s25 =	sshll.u32 s23, $0xB;
	s28 =	sshll.u32 s23, $0x5;
	s4 =	smul.u32 $0x138800, s20  }
0xc: {  	_ =	strace $0x80000047;
	s7 =	ssub.s32 $0x2, s20;
	s10 =	sshll.u32 s20, $0x4  }
0xd: {  	s24 =	sshll.u32 s20, $0xF;
	s26 =	sshll.u32 s20, $0x9;
	s9 =	sshrl.u32 s7, $0x1  }
0xe: {  	s1 =	sadd.s32 s26, s1;
	s4 =	sadd.s32 s6, s4;
	s17 =	ssub.s32 s7, s9  }
0xf: {  	s9 =	smul.u32 $0x50000, s23;
	s7 =	simm.s32 $0x1900;
	s1 =	sadd.s32 s28, s1  }
0x10: {  	s6 =	sshrl.u32 s4, $0x3;
	s4 =	sadd.s32 $0x1A00, s5;
	s7 =	simm.s32 @!p0 $0x2800  }
0x11: {  	s17 =	smax.u32 s17, $0x1;
	s1 =	sadd.s32 $0xC10, s1;
	s15 =	sadd.s32 s6, s5  }
0x12: {  	s5 =	sor.u32 s23, s10;
	s6 =	simm.s32 $0xFFFFE700;
	s9 =	sshrl.u32 s9, $0x2  }
0x13: {  	s10 =	smul.u32 $0x2800, s23;
	s6 =	simm.s32 @!p0 $0xFFFFD800;
	s22 =	sadd.s32 s9, s2  }
0x14: {  	p0 =	seq.s32 s5, $0x0;
	s11 =	sshll.u32 s5, $0xB;
	s14 =	sshll.u32 s5, $0x5  }
0x15: {  	s13 =	sor.u32 $0x20, s5;
	s15 =	sadd.s32 $0x2000, s15;
	s8 =	sadd.s32 s8, s10  }
0x16: {  	s9 =	sadd.s32 s0, s11;
	s21 =	sadd.s32 s14, s12;
	s11 =	sshll.u32 s13, $0xB  }
0x17: {  	s13 =	sshll.u32 s13, $0x5;
	s14 =	ssub.s32 $0x9A4, s5;
	s4 =	smov.u32 @p0 s19  }
0x18: {  	p0 =	sne.s32 s20, $0x0;
	s19 =	sshll.u32 s23, $0x6;
	[dreg:$0x9] =	wrdreg s9  }
0x19: {  	s22 =	sshrl.u32 s22, $0x3;
	s23 =	simm.s32 $0x6;
	[dreg:$0xa] =	wrdreg s21  }
0x1a: {  	s11 =	sadd.s32 s0, s11;
	s21 =	smul.u32 $0x4E2, s5;
	s12 =	sadd.s32 s13, s12  }
0x1b: {  	s13 =	ssub.s32 $0x9C4, s5;
	s0 =	sadd.s32 s24, s0;
	s10 =	smov.u32 s4  }
0x1c: {  	s8 =	smov.u32 @p0 s18;
	s24 =	simm.s32 $0x8100;
	s0 =	sadd.s32 s25, s0  }
0x1d: {  	s16 =	sadd.s32 s16, s21;
	s0 =	sadd.s32 $0x30000, s0;
	s21 =	sor.u32 $0x1C06, s19  }
.LBB2_1:
0x1e: {  	[spmem:s22], [sflag:s21] =	dma.local [hbm:s8], s7  }
0x1f: {  	_ =	swait.ge [sflag:s23], s7  }
0x20: {  	[sflag:s23] =	ssyncset.done $0x0  }
0x21: {  	[sflag:s23] =	ssyncadd.s32 s6  }
0x22: {  	[tilespmem:s24], [sflag:$0x6] =	stream.linear.gather [hbm4b:s10+s3], $0x2780, $0x38;
	[tilespmem:$0x1E100] =	vst v63  }
0x23: {  	_ =	swait.ge [sflag:s23], $0x2780  }
0x24: {  	[sflag:s23] =	ssyncset.done $0x0  }
0x25: {  	s4 =	rddreg [dreg:$0x9];
	[sflag:s23] =	ssyncadd.s32 $0xFFFFD880  }
0x26: {  	[tilespmem:s3], [sflag:$0x1] =	stream.linear.gather [hbm4b:s4+s3], $0x4000, $0x38;
	[tilespmem:$0x1E100] =	vst v63  }
0x27: {  	s9 =	simm.s32 $0x8000;
	s25 =	rddreg [dreg:$0xa]  }
0x28: {  	[tilespmem:s9], [sflag:$0x3] =	stream.linear.gather [hbm4b:s25+s3], $0x80, $0x38;
	[tilespmem:$0x1E100] =	vst v63  }
0x29: {  	s26 =	simm.s32 $0x4000  }
0x2a: {  	[tilespmem:s26], [sflag:$0x2] =	stream.linear.gather [hbm4b:s11+s3], $0x4000, $0x38;
	[tilespmem:$0x1E100] =	vst v63  }
0x2b: {  	s28 =	simm.s32 $0x8080;
	s20 =	smov.u32 s1  }
0x2c: {  	[tilespmem:s28], [sflag:$0x4] =	stream.linear.gather [hbm4b:s12+s3], $0x80, $0x38;
	[tilespmem:$0x1E100] =	vst v63  }
0x2d: {  	s18 =	smov.u32 s0;
	s25 =	simm.s32 $0x0;
	[bflag:$0x0] =	sbarrier.arrive $0xFFFF  }
.LBB2_2:
0x2e: {  	p0 =	sge.u32 s25, s13  }
0x2f: {  	s26 =	simm.s32 @!p0 $0x1  }
0x30: {  	_ =	swait.ge @!p0 [sflag:s26], $0x4000  }
0x31: {  	[sflag:s26] =	ssyncset.done @!p0 $0x0  }
0x32: {  	[sflag:s26] =	ssyncadd.s32 @!p0 $0xFFFFC000;
	s26 =	simm.s32 @!p0 $0x3  }
0x33: {  	_ =	swait.ge @!p0 [sflag:s26], $0x80  }
0x34: {  	s28 =	simm.s32 @!p0 $0x8000;
	[sflag:s26] =	ssyncset.done @!p0 $0x0  }
0x35: {  	s4 =	simm.s32 @!p0 $0x0;
	[sflag:s26] =	ssyncadd.s32 @!p0 $0xFFFFFF80;
	s26 =	simm.s32 @!p0 $0x80  }
0x36: {  	[spmem:s2] =	stream.indirect.scatter.add.f32 @!p0 [tilespmem:s4], [sflag:$0x5], $0x80, s28, s26, $0xb8;
	[tilespmem:$0x1E100] =	vst v63  }
0x37: {  	v0 =	vld @!p0 [tilespmem:$0x8000];
	_ =	sdelay $0x6  }
0x38: {  	v1 =	vimm.f32 @!p0 $1.000000000e+00;
	s4 =	simm.s32 @!p0 $0x8100  }
0x39: {  	[tilespmem:v0+s4+$0x0] =	vst.idx.add.f32.msk @!p0 $0xffff, v1  }
0x3a: {  	v0 =	vld @!p0 [tilespmem:$0x8010];
	_ =	sdelay $0x7  }
0x3b: {  	[tilespmem:v0+s4+$0x0] =	vst.idx.add.f32.msk @!p0 $0xffff, v1  }
0x3c: {  	v0 =	vld @!p0 [tilespmem:$0x8020];
	_ =	sdelay $0x7  }
0x3d: {  	[tilespmem:v0+s4+$0x0] =	vst.idx.add.f32.msk @!p0 $0xffff, v1  }
0x3e: {  	v0 =	vld @!p0 [tilespmem:$0x8030];
	_ =	sdelay $0x7  }
0x3f: {  	[tilespmem:v0+s4+$0x0] =	vst.idx.add.f32.msk @!p0 $0xffff, v1  }
0x40: {  	v0 =	vld @!p0 [tilespmem:$0x8040];
	_ =	sdelay $0x7  }
0x41: {  	[tilespmem:v0+s4+$0x0] =	vst.idx.add.f32.msk @!p0 $0xffff, v1  }
0x42: {  	v0 =	vld @!p0 [tilespmem:$0x8050];
	_ =	sdelay $0x7  }
0x43: {  	[tilespmem:v0+s4+$0x0] =	vst.idx.add.f32.msk @!p0 $0xffff, v1  }
0x44: {  	v0 =	vld @!p0 [tilespmem:$0x8060];
	_ =	sdelay $0x7  }
0x45: {  	[tilespmem:v0+s4+$0x0] =	vst.idx.add.f32.msk @!p0 $0xffff, v1  }
0x46: {  	v0 =	vld @!p0 [tilespmem:$0x8070];
	_ =	sdelay $0x7  }
0x47: {  	s26 =	sadd.s32 s25, s5;
	[tilespmem:v0+s4+$0x0] =	vst.idx.add.f32.msk @!p0 $0xffff, v1;
	s4 =	simm.s32 @!p0 $0x5  }
0x48: {  	s9 =	sadd.s32 $0x40, s26;
	_ =	swait.ge @!p0 [sflag:s4], $0x4000  }
0x49: {  	p1 =	sgt.u32 s9, $0x9C3;
	[sflag:s4] =	ssyncset.done @!p0 $0x0  }
0x4a: {  	s28 =	simm.s32 @!p1 $0x0;
	[sflag:s4] =	ssyncadd.s32 @!p0 $0xFFFFC000;
	s4 =	sadd.s32 @!p1 $0xFFFF0000, s18  }
0x4b: {  	[tilespmem:s28], [sflag:$0x1] =	stream.linear.gather @!p1 [hbm4b:s4+s28], $0x4000, $0x38;
	[tilespmem:$0x1E100] =	vst v63  }
0x4c: {  	s9 =	simm.s32 @!p1 $0x8000;
	p0 =	sge.u32 s25, s14;
	s4 =	sadd.s32 @!p1 $0xFFFFFC00, s20  }
0x4d: {  	[tilespmem:s9], [sflag:$0x3] =	stream.linear.gather @!p1 [hbm4b:s4+s28], $0x80, $0x38;
	[tilespmem:$0x1E100] =	vst v63  }
0x4e: {  	s4 =	simm.s32 @!p0 $0x2  }
0x4f: {  	_ =	swait.ge @!p0 [sflag:s4], $0x4000  }
0x50: {  	[sflag:s4] =	ssyncset.done @!p0 $0x0  }
0x51: {  	[sflag:s4] =	ssyncadd.s32 @!p0 $0xFFFFC000;
	s4 =	simm.s32 @!p0 $0x4  }
0x52: {  	_ =	swait.ge @!p0 [sflag:s4], $0x80  }
0x53: {  	s9 =	simm.s32 @!p0 $0x8080;
	[sflag:s4] =	ssyncset.done @!p0 $0x0  }
0x54: {  	s28 =	simm.s32 @!p0 $0x4000;
	[sflag:s4] =	ssyncadd.s32 @!p0 $0xFFFFFF80;
	s4 =	simm.s32 @!p0 $0x80  }
0x55: {  	[spmem:s2] =	stream.indirect.scatter.add.f32 @!p0 [tilespmem:s28], [sflag:$0x5], $0x80, s9, s4, $0xb8;
	[tilespmem:$0x1E100] =	vst v63  }
0x56: {  	v0 =	vld @!p0 [tilespmem:$0x8080];
	_ =	sdelay $0x6  }
0x57: {  	v1 =	vimm.f32 @!p0 $1.000000000e+00;
	s4 =	simm.s32 @!p0 $0x8100  }
0x58: {  	[tilespmem:v0+s4+$0x0] =	vst.idx.add.f32.msk @!p0 $0xffff, v1  }
0x59: {  	v0 =	vld @!p0 [tilespmem:$0x8090];
	_ =	sdelay $0x7  }
0x5a: {  	[tilespmem:v0+s4+$0x0] =	vst.idx.add.f32.msk @!p0 $0xffff, v1  }
0x5b: {  	v0 =	vld @!p0 [tilespmem:$0x80A0];
	_ =	sdelay $0x7  }
0x5c: {  	[tilespmem:v0+s4+$0x0] =	vst.idx.add.f32.msk @!p0 $0xffff, v1  }
0x5d: {  	v0 =	vld @!p0 [tilespmem:$0x80B0];
	_ =	sdelay $0x7  }
0x5e: {  	[tilespmem:v0+s4+$0x0] =	vst.idx.add.f32.msk @!p0 $0xffff, v1  }
0x5f: {  	v0 =	vld @!p0 [tilespmem:$0x80C0];
	_ =	sdelay $0x7  }
0x60: {  	[tilespmem:v0+s4+$0x0] =	vst.idx.add.f32.msk @!p0 $0xffff, v1  }
0x61: {  	v0 =	vld @!p0 [tilespmem:$0x80D0];
	_ =	sdelay $0x7  }
0x62: {  	[tilespmem:v0+s4+$0x0] =	vst.idx.add.f32.msk @!p0 $0xffff, v1  }
0x63: {  	v0 =	vld @!p0 [tilespmem:$0x80E0];
	_ =	sdelay $0x7  }
0x64: {  	[tilespmem:v0+s4+$0x0] =	vst.idx.add.f32.msk @!p0 $0xffff, v1  }
0x65: {  	v0 =	vld @!p0 [tilespmem:$0x80F0];
	_ =	sdelay $0x7  }
0x66: {  	[tilespmem:v0+s4+$0x0] =	vst.idx.add.f32.msk @!p0 $0xffff, v1;
	s4 =	simm.s32 @!p0 $0x5  }
0x67: {  	_ =	swait.ge @!p0 [sflag:s4], $0x4000  }
0x68: {  	s25 =	sadd.s32 $0x40, s25;
	s28 =	sadd.s32 $0x60, s26;
	[sflag:s4] =	ssyncset.done @!p0 $0x0  }
0x69: {  	p1 =	sgt.u32 s28, $0x9C3;
	[sflag:s4] =	ssyncadd.s32 @!p0 $0xFFFFC000;
	p0 =	sne.s32 s25, $0xA00  }
.Ltmp0:
0x6a: {  	s9 =	simm.s32 @!p1 $0x4000;
	s4 =	simm.s32 @!p1 $0x0;
	(pc) =	sbr.rel @p0 .LBB2_2-.Ltmp0, $4  }
0x6b: {  	[tilespmem:s9], [sflag:$0x2] =	stream.linear.gather @!p1 [hbm4b:s18+s4], $0x4000, $0x38;
	[tilespmem:$0x1E100] =	vst v63  }
0x6c: {  	s9 =	simm.s32 @!p1 $0x8080  }
0x6d: {  	[tilespmem:s9], [sflag:$0x4] =	stream.linear.gather @!p1 [hbm4b:s20+s4], $0x80, $0x38;
	[tilespmem:$0x1E100] =	vst v63  }
0x6e: {  	s18 =	sadd.s32 $0x20000, s18;
	s20 =	sadd.s32 $0x800, s20  }
0x6f: {  	[bflag:$0x0] =	sbarrier.arrive $0xFFFF;
	s4 =	sor.u32 $0x1C01, s19;
	s31 =	sadd.s32 $0x1, s31  }
0x70: {  	[hbm:s15], [sflag:s4] =	dma.local [spmem:s22], s7  }
0x71: {  	[hbm4b:s16+s3] =	stream.linear.scatter [tilespmem:s24], [sflag:$0x3], $0x2710, $0x38;
	[tilespmem:$0x1E100] =	vst v63  }
0x72: {  	p0 =	sne.s32 s31, s17;
	_ =	swait.ge [sflag:s29], s7  }
.Ltmp1:
0x73: {  	[sflag:s29] =	ssyncset.done $0x0;
	(pc) =	sbr.rel @p0 .LBB2_1-.Ltmp1, $4  }
0x74: {  	[sflag:s29] =	ssyncadd.s32 s6  }
0x75: {  	_ =	swait.ge [sflag:s30], $0x2710  }
0x76: {  	[sflag:s30] =	ssyncset.done $0x0  }
0x77: {  	[sflag:s30] =	ssyncadd.s32 $0xFFFFD8F0  }
0x78: {  	_ =	sfence.sel $0x180000  }
0x79: {  	[bflag:$0x0] =	sbarrier.arrive $0xFFFF  }
0x7a: {  	_ =	strace $0x90000047  }
0x7b: {  	s0 =	stileid.u32;
	[bflag:$0x2] =	sbarrier.arrive $0xFFFF  }
0x7c: {  	p0 =	sne.s32 s0, $0x0;
	s0 =	rddreg [dreg:$0x8]  }
0x7d: {  	s0 =	sadd.s32 @!p0 $0x100000, s0  }
0x7e: {  	[sflag:s0] =	ssyncadd.tile.s32 @!p0 $0x1;
	_ =	shalt  }
.Lfunc_end2:
_tile_overlayer_lowered:
.L_overlay_start_2:
0x7f: {  	(tag) =	ssettag $0x2  }
0x80: {  	s0 =	rddreg [dreg:$0x0];
	s2 =	stileid.u32  }
0x81: {  	s1 =	rddreg [dreg:$0x1];
	p0 =	sne.s32 s2, $0x0  }
0x82: {  	s3 =	rddreg [dreg:$0x2];
	[bflag:$0x3] =	sbarrier.arrive $0xFFFF;
	s2 =	simm.s32 @!p0 $0x1C06  }
0x83: {  	[timem:s3], [sflag:s2] =	dma.local @!p0 [hbm:s0], s1  }
0x84: {  	s0 =	simm.s32 @!p0 $0x6  }
0x85: {  	_ =	swait.ge @!p0 [sflag:s0], s1  }
0x86: {  	s1 =	ssub.s32 @!p0 $0x0, s1;
	[sflag:s0] =	ssyncset.done @!p0 $0x0  }
0x87: {  	[sflag:s0] =	ssyncadd.s32 @!p0 s1  }
0x88: {  	[bflag:$0x3] =	sbarrier.arrive $0xFFFF  }
0x89: {  	_ =	shalt  }

</sc_bundles>
